<compile_context>
chip_gen: v7x
topology: tpu7x:2x2x1
jax: 0.10.2.dev20260603
libtpu: 0.0.44.dev20260713+nightly
codegen_flags: <defaults>
</compile_context>

<pallas_src>
import functools

import jax
import jax.numpy as jnp
from jax import lax
from jax.experimental import pallas as pl
from jax.experimental.pallas import tpu as pltpu
from jax.experimental.pallas import tpu_sc as plsc

_N = 100000
_E = 3200000
_H = 16
_VIN = 128
_UIN = 64
_G = 16

_EB = 128
_NBLK = _E // _EB
_CB = 8
_CE = _CB * _EB
_NC = 2
_NS = 16
_NW = _NC * _NS
_RA = 6256
_RLAST = _N - 15 * _RA

_BN = 4000
_NB = _N // _BN

_XB = 5120
_XG = _E // _XB
_XG1 = 438
_XG2 = _XG - _XG1
_E1 = _XG1 * _XB
_E2 = _E - _E1
_NCH1 = _E1 // _CE
_NCH2 = _E2 // _CE


def _xpose_body(in_ref, out_ref):
    t = in_ref[...].T
    t3 = t.reshape(_XB // 8, 8, _H)
    for v in range(8):
        out_ref[:, 16 * v:16 * (v + 1)] = t3[:, v, :]


def _tc_xpose(eaT, nblk, blk0):
    return pl.pallas_call(
        _xpose_body,
        grid=(nblk,),
        in_specs=[pl.BlockSpec((_H, _XB), lambda i: (0, i + blk0))],
        out_specs=pl.BlockSpec((_XB // 8, 128), lambda i: (i, 0)),
        out_shape=jax.ShapeDtypeStruct((nblk * _XB // 8, 128), jnp.float32),
        compiler_params=pltpu.CompilerParams(
            dimension_semantics=("arbitrary",)),
    )(eaT)


def _make_sc_body(nchunk):
    iters = -(-nchunk // _NW)

    def _sc_body(col_hbm, ea_hbm, z_hbm, out_hbm, idx_v, val_v, agg_sh):
        c = lax.axis_index("c")
        s = lax.axis_index("s")
        wid = s * _NC + c
        rowbase = s * _RA

        @pl.when(s < _NS - 1)
        def _():
            pltpu.sync_copy(z_hbm.at[pl.ds(rowbase, _RA)],
                            agg_sh.at[pl.ds(rowbase, _RA)])

        @pl.when(s == _NS - 1)
        def _():
            pltpu.sync_copy(z_hbm.at[pl.ds(rowbase, _RLAST)],
                            agg_sh.at[pl.ds(rowbase, _RLAST)])

        plsc.subcore_barrier()

        def body(it, carry):
            chunk = it * _NW + wid

            @pl.when(chunk < nchunk)
            def _():
                pltpu.sync_copy(col_hbm.at[pl.ds(chunk * _CB, _CB)], idx_v)
                pltpu.sync_copy(ea_hbm.at[pl.ds(chunk * _CE, _CE)], val_v)
                for j in range(_CB):
                    pltpu.sync_copy(val_v.at[pl.ds(j * _EB, _EB)],
                                    agg_sh.at[idx_v.at[j]], add=True)

            return carry

        lax.fori_loop(0, iters, body, 0)
        plsc.subcore_barrier()

        @pl.when(s < _NS - 1)
        def _():
            pltpu.sync_copy(agg_sh.at[pl.ds(rowbase, _RA)],
                            out_hbm.at[pl.ds(c * _N + rowbase, _RA)])

        @pl.when(s == _NS - 1)
        def _():
            pltpu.sync_copy(agg_sh.at[pl.ds(rowbase, _RLAST)],
                            out_hbm.at[pl.ds(c * _N + rowbase, _RLAST)])

    return _sc_body


@functools.cache
def _sc_scatter_add(nchunk):
    return pl.kernel(
        _make_sc_body(nchunk),
        out_type=jax.ShapeDtypeStruct((_NC * _N, _H), jnp.float32),
        mesh=plsc.VectorSubcoreMesh(core_axis_name="c", subcore_axis_name="s",
                                    num_cores=_NC, num_subcores=_NS),
        scratch_types=[
            pltpu.VMEM((_CB, _EB), jnp.int32),
            pltpu.VMEM((_CE, _H), jnp.float32),
            pltpu.VMEM_SHARED((_N, _H), jnp.float32),
        ],
        compiler_params=pltpu.CompilerParams(use_tc_tiling_on_sc=False),
    )


def _mlp_x_body(x_ref, b_ref, u_ref, W1_ref, b1_ref, o_ref):
    f32 = jnp.float32
    dotT = lambda a, b: lax.dot_general(a, b, (((1,), (1,)), ((), ())),
                                        preferred_element_type=f32)
    W1 = W1_ref[...]
    uh = dotT(u_ref[...], W1[:, _VIN + _H:]) + b1_ref[...]
    bidx = b_ref[0, 0, :]
    oh = (bidx[:, None] == lax.broadcasted_iota(jnp.int32, (1, _G), 1)
          ).astype(f32)
    acc = dotT(x_ref[...], W1[:, :_VIN])
    o_ref[...] = acc + lax.dot_general(oh, uh, (((1,), (0,)), ((), ())),
                                       preferred_element_type=f32)


def _tc_mlp_x(x, batch3, u, W1, b1r):
    return pl.pallas_call(
        _mlp_x_body,
        grid=(_NB,),
        in_specs=[
            pl.BlockSpec((_BN, _VIN), lambda i: (i, 0)),
            pl.BlockSpec((1, 1, _BN), lambda i: (i, 0, 0)),
            pl.BlockSpec((_G, _UIN), lambda i: (0, 0)),
            pl.BlockSpec((_H, _VIN + _H + _UIN), lambda i: (0, 0)),
            pl.BlockSpec((1, _H), lambda i: (0, 0)),
        ],
        out_specs=pl.BlockSpec((_BN, _H), lambda i: (i, 0)),
        out_shape=jax.ShapeDtypeStruct((_N, _H), jnp.float32),
        compiler_params=pltpu.CompilerParams(
            dimension_semantics=("arbitrary",)),
    )(x, batch3, u, W1, b1r)


def _mlp_fin_body(a_ref, p0_ref, p1_ref, p2_ref, p3_ref, W1_ref, W2_ref,
                  b2_ref, o_ref):
    f32 = jnp.float32
    dotT = lambda a, b: lax.dot_general(a, b, (((1,), (1,)), ((), ())),
                                        preferred_element_type=f32)
    W1a = W1_ref[...][:, _VIN:_VIN + _H]
    p = (p0_ref[...] + p1_ref[...]) + (p2_ref[...] + p3_ref[...])
    acc = a_ref[...] + dotT(p, W1a)
    h = jnp.maximum(acc, 0.0)
    o_ref[...] = dotT(h, W2_ref[...]) + b2_ref[...]


def _tc_mlp_fin(accx, pa, pb, W1, W2, b2r):
    return pl.pallas_call(
        _mlp_fin_body,
        grid=(_NB,),
        in_specs=[
            pl.BlockSpec((_BN, _H), lambda i: (i, 0)),
            pl.BlockSpec((_BN, _H), lambda i: (i, 0)),
            pl.BlockSpec((_BN, _H), lambda i: (i + _NB, 0)),
            pl.BlockSpec((_BN, _H), lambda i: (i, 0)),
            pl.BlockSpec((_BN, _H), lambda i: (i + _NB, 0)),
            pl.BlockSpec((_H, _VIN + _H + _UIN), lambda i: (0, 0)),
            pl.BlockSpec((_H, _H), lambda i: (0, 0)),
            pl.BlockSpec((1, _H), lambda i: (0, 0)),
        ],
        out_specs=pl.BlockSpec((_BN, _H), lambda i: (i, 0)),
        out_shape=jax.ShapeDtypeStruct((_N, _H), jnp.float32),
        compiler_params=pltpu.CompilerParams(
            dimension_semantics=("arbitrary",)),
    )(accx, pa, pa, pb, pb, W1, W2, b2r)


def kernel(x, edge_index, edge_attr, u, batch, W1, b1, W2, b2):
    col2d = edge_index[1].astype(jnp.int32).reshape(_NBLK, _EB)
    zeros = jnp.zeros((_N, _H), jnp.float32)
    eaT = edge_attr.T
    ea1 = _tc_xpose(eaT, _XG1, 0)
    pa = _sc_scatter_add(_NCH1)(col2d[:_NCH1 * _CB],
                                ea1.reshape(_E1, _H), zeros)
    ea2 = _tc_xpose(eaT, _XG2, _XG1)
    pb = _sc_scatter_add(_NCH2)(col2d[_NCH1 * _CB:],
                                ea2.reshape(_E2, _H), zeros)
    batch3 = batch.astype(jnp.int32).reshape(_NB, 1, _BN)
    accx = _tc_mlp_x(x, batch3, u, W1, b1.reshape(1, _H))
    return _tc_mlp_fin(accx, pa, pb, W1, W2, b2.reshape(1, _H))

# --- scband reference (transcript-rebuilt; emitter-appended) ---
"""Pipeline reference for scband-node-model-20203526160533 (READ-ONLY COPY).

The authoritative reference and input builder live on the scoring server;
editing this copy changes nothing except your own understanding.
"""

import jax, jax.numpy as jnp
import numpy as np

N_NODES = 100000
N_EDGES = 3200000
V_IN = 128
U_IN = 64
HIDDEN = 16
N_GRAPHS = 16


def setup_inputs(seed: int = 0) -> dict:
    key = jax.random.key(seed)
    k = jax.random.split(key, 10)
    x = jax.random.normal(k[0], (N_NODES, V_IN), dtype=jnp.float32)
    edge_index = jax.random.randint(k[1], (2, N_EDGES), 0, N_NODES, dtype=jnp.int64)
    edge_attr = jax.random.normal(k[2], (N_EDGES, HIDDEN), dtype=jnp.float32)
    u = jax.random.normal(k[3], (N_GRAPHS, U_IN), dtype=jnp.float32)
    batch = jnp.sort(jax.random.randint(k[4], (N_NODES,), 0, N_GRAPHS, dtype=jnp.int64))
    in_dim = V_IN + HIDDEN + U_IN
    # torch nn.Linear default init: U(-1/sqrt(fan_in), 1/sqrt(fan_in)); weight shape [out, in]
    bound1 = 1.0 / np.sqrt(in_dim)
    W1 = jax.random.uniform(k[5], (HIDDEN, in_dim), dtype=jnp.float32, minval=-bound1, maxval=bound1)
    b1 = jax.random.uniform(k[6], (HIDDEN,), dtype=jnp.float32, minval=-bound1, maxval=bound1)
    bound2 = 1.0 / np.sqrt(HIDDEN)
    W2 = jax.random.uniform(k[7], (HIDDEN, HIDDEN), dtype=jnp.float32, minval=-bound2, maxval=bound2)
    b2 = jax.random.uniform(k[8], (HIDDEN,), dtype=jnp.float32, minval=-bound2, maxval=bound2)
    return {"x": x, "edge_index": edge_index, "edge_attr": edge_attr, "u": u, "batch": batch,
            "W1": W1, "b1": b1, "W2": W2, "b2": b2}


def reference(x, edge_index, edge_attr, u, batch, W1, b1, W2, b2):
    row, col = edge_index[0], edge_index[1]
    # scatter_add(edge_attr, col, dim=0, dim_size=x.size(0))
    agg = jax.ops.segment_sum(edge_attr, col, num_segments=x.shape[0])
    h = jnp.concatenate([x, agg, u[batch]], axis=1)
    h = jax.nn.relu(h @ W1.T + b1)
    out = h @ W2.T + b2
    return out

if __name__ == "__main__":
    import jax
    _d = setup_inputs()
    print(jax.jit(kernel)(*tuple(_d.values())))

</pallas_src>

<mosaic_0001>
#map = affine_map<(d0, d1) -> (0, 0)>
module attributes {stable_mosaic.version = 14 : i64} {
  func.func @_sc_body(%arg0: i32, %arg1: i32, %arg2: memref<7480x128xi32, #tpu.memory_space<hbm>>, %arg3: memref<957440x16xf32, #tpu.memory_space<hbm>>, %arg4: memref<100000x16xf32, #tpu.memory_space<hbm>>, %arg5: memref<200000x16xf32, #tpu.memory_space<hbm>>, %arg6: memref<8x128xi32, #tpu.memory_space<vmem>>, %arg7: memref<1024x16xf32, #tpu.memory_space<vmem>>, %arg8: memref<100000x16xf32, #tpu.memory_space<vmem_shared>>) attributes {dimension_semantics = [#tpu.dimension_semantics<core_parallel>, #tpu.dimension_semantics<subcore_parallel>], iteration_bounds = array<i64: 2, 16>, scalar_prefetch = 0 : i64, scratch_operands = 3 : i64, tpu.core_type = #tpu.core_type<sc_vector_subcore>, window_params = [{transform_indices = #map}, {transform_indices = #map}, {transform_indices = #map}, {transform_indices = #map}]} {
    %mul3A = arith.constant 2 : i32
    %mul3A_0 = arith.muli %arg1, %mul3A : i32
    %add3A = arith.addi %mul3A_0, %arg0 : i32
    %mul3A_1 = arith.constant 6256 : i32
    %mul3A_2 = arith.muli %arg1, %mul3A_1 : i32
    %lt3A = arith.constant 15 : i32
    %lt3A_3 = arith.cmpi slt, %arg1, %lt3A : i32
    %convert_element_type3A = arith.extui %lt3A_3 : i1 to i32
    %cond3A = arith.constant 0 : i32
    %cond3A_4 = arith.cmpi ne, %convert_element_type3A, %cond3A : i32
    scf.if %cond3A_4 {
      "tpu.region"() ({
        %run_scoped3A = tpu.sem_alloc : memref<!tpu.dma_semaphore, #tpu.memory_space<semaphore_mem>>
        %dma_start3A = arith.constant 0 : i32
        %dma_start3A_25 = tpu.memref_slice %arg8[%mul3A_2, %dma_start3A] : memref<100000x16xf32, #tpu.memory_space<vmem_shared>> -> memref<6256x16xf32, #tpu.memory_space<vmem_shared>>
        %dma_start3A_26 = arith.constant 0 : i32
        %dma_start3A_27 = tpu.memref_slice %arg4[%mul3A_2, %dma_start3A_26] : memref<100000x16xf32, #tpu.memory_space<hbm>> -> memref<6256x16xf32, #tpu.memory_space<hbm>>
        tpu.enqueue_dma source(%dma_start3A_27 : memref<6256x16xf32, #tpu.memory_space<hbm>>) target(%dma_start3A_25 : memref<6256x16xf32, #tpu.memory_space<vmem_shared>>) target_semaphore(%run_scoped3A : memref<!tpu.dma_semaphore, #tpu.memory_space<semaphore_mem>>)
        %dma_wait3A = arith.constant 0 : i32
        %dma_wait3A_28 = tpu.memref_slice %arg8[%mul3A_2, %dma_wait3A] : memref<100000x16xf32, #tpu.memory_space<vmem_shared>> -> memref<6256x16xf32, #tpu.memory_space<vmem_shared>>
        %dma_wait3A_29 = arith.constant 0 : i32
        %dma_wait3A_30 = tpu.memref_slice %arg4[%mul3A_2, %dma_wait3A_29] : memref<100000x16xf32, #tpu.memory_space<hbm>> -> memref<6256x16xf32, #tpu.memory_space<hbm>>
        tpu.wait_dma2 semaphore(%run_scoped3A : memref<!tpu.dma_semaphore, #tpu.memory_space<semaphore_mem>>) src(%dma_wait3A_30 : memref<6256x16xf32, #tpu.memory_space<hbm>>) dst(%dma_wait3A_28 : memref<6256x16xf32, #tpu.memory_space<vmem_shared>>)
        tpu.yield
      }) : () -> ()
    } else {
    }
    %eq3A = arith.constant 15 : i32
    %eq3A_5 = arith.cmpi eq, %arg1, %eq3A : i32
    %convert_element_type3A_6 = arith.extui %eq3A_5 : i1 to i32
    %cond3A_7 = arith.constant 0 : i32
    %cond3A_8 = arith.cmpi ne, %convert_element_type3A_6, %cond3A_7 : i32
    scf.if %cond3A_8 {
      "tpu.region"() ({
        %run_scoped3A = tpu.sem_alloc : memref<!tpu.dma_semaphore, #tpu.memory_space<semaphore_mem>>
        %dma_start3A = arith.constant 0 : i32
        %dma_start3A_25 = tpu.memref_slice %arg8[%mul3A_2, %dma_start3A] : memref<100000x16xf32, #tpu.memory_space<vmem_shared>> -> memref<6160x16xf32, #tpu.memory_space<vmem_shared>>
        %dma_start3A_26 = arith.constant 0 : i32
        %dma_start3A_27 = tpu.memref_slice %arg4[%mul3A_2, %dma_start3A_26] : memref<100000x16xf32, #tpu.memory_space<hbm>> -> memref<6160x16xf32, #tpu.memory_space<hbm>>
        tpu.enqueue_dma source(%dma_start3A_27 : memref<6160x16xf32, #tpu.memory_space<hbm>>) target(%dma_start3A_25 : memref<6160x16xf32, #tpu.memory_space<vmem_shared>>) target_semaphore(%run_scoped3A : memref<!tpu.dma_semaphore, #tpu.memory_space<semaphore_mem>>)
        %dma_wait3A = arith.constant 0 : i32
        %dma_wait3A_28 = tpu.memref_slice %arg8[%mul3A_2, %dma_wait3A] : memref<100000x16xf32, #tpu.memory_space<vmem_shared>> -> memref<6160x16xf32, #tpu.memory_space<vmem_shared>>
        %dma_wait3A_29 = arith.constant 0 : i32
        %dma_wait3A_30 = tpu.memref_slice %arg4[%mul3A_2, %dma_wait3A_29] : memref<100000x16xf32, #tpu.memory_space<hbm>> -> memref<6160x16xf32, #tpu.memory_space<hbm>>
        tpu.wait_dma2 semaphore(%run_scoped3A : memref<!tpu.dma_semaphore, #tpu.memory_space<semaphore_mem>>) src(%dma_wait3A_30 : memref<6160x16xf32, #tpu.memory_space<hbm>>) dst(%dma_wait3A_28 : memref<6160x16xf32, #tpu.memory_space<vmem_shared>>)
        tpu.yield
      }) : () -> ()
    } else {
    }
    %barrier3A = arith.constant 0 : index
    tpu.barrier barrier_id(%barrier3A)
    %scan3A = arith.constant 0 : i32
    %scan3A_9 = arith.constant 0 : i32
    %scan3A_10 = arith.constant 30 : i32
    %scan3A_11 = arith.addi %scan3A_9, %scan3A_10 : i32
    %scan3A_12 = arith.constant 1 : i32
    scf.for %scan3A_25 = %scan3A_9 to %scan3A_11 step %scan3A_12  : i32 {
      %mul3A_26 = arith.constant 32 : i32
      %mul3A_27 = arith.muli %scan3A_25, %mul3A_26 : i32
      %add3A_28 = arith.addi %mul3A_27, %add3A : i32
      %lt3A_29 = arith.constant 935 : i32
      %lt3A_30 = arith.cmpi slt, %add3A_28, %lt3A_29 : i32
      %convert_element_type3A_31 = arith.extui %lt3A_30 : i1 to i32
      %cond3A_32 = arith.constant 0 : i32
      %cond3A_33 = arith.cmpi ne, %convert_element_type3A_31, %cond3A_32 : i32
      scf.if %cond3A_33 {
        %mul3A_34 = arith.constant 8 : i32
        %mul3A_35 = arith.muli %add3A_28, %mul3A_34 : i32
        "tpu.region"() ({
          %run_scoped3A_45 = tpu.sem_alloc : memref<!tpu.dma_semaphore, #tpu.memory_space<semaphore_mem>>
          %dma_start3A = arith.constant 0 : i32
          %dma_start3A_46 = tpu.memref_slice %arg2[%mul3A_35, %dma_start3A] : memref<7480x128xi32, #tpu.memory_space<hbm>> -> memref<8x128xi32, #tpu.memory_space<hbm>>
          %dma_start3A_47 = arith.constant 0 : i32
          %dma_start3A_48 = tpu.memref_slice %arg2[%mul3A_35, %dma_start3A_47] : memref<7480x128xi32, #tpu.memory_space<hbm>> -> memref<8x128xi32, #tpu.memory_space<hbm>>
          tpu.enqueue_dma source(%dma_start3A_48 : memref<8x128xi32, #tpu.memory_space<hbm>>) target(%arg6 : memref<8x128xi32, #tpu.memory_space<vmem>>) target_semaphore(%run_scoped3A_45 : memref<!tpu.dma_semaphore, #tpu.memory_space<semaphore_mem>>)
          %dma_wait3A = arith.constant 0 : i32
          %dma_wait3A_49 = tpu.memref_slice %arg2[%mul3A_35, %dma_wait3A] : memref<7480x128xi32, #tpu.memory_space<hbm>> -> memref<8x128xi32, #tpu.memory_space<hbm>>
          %dma_wait3A_50 = arith.constant 0 : i32
          %dma_wait3A_51 = tpu.memref_slice %arg2[%mul3A_35, %dma_wait3A_50] : memref<7480x128xi32, #tpu.memory_space<hbm>> -> memref<8x128xi32, #tpu.memory_space<hbm>>
          tpu.wait_dma2 semaphore(%run_scoped3A_45 : memref<!tpu.dma_semaphore, #tpu.memory_space<semaphore_mem>>) src(%dma_wait3A_51 : memref<8x128xi32, #tpu.memory_space<hbm>>) dst(%arg6 : memref<8x128xi32, #tpu.memory_space<vmem>>)
          tpu.yield
        }) : () -> ()
        %mul3A_36 = arith.constant 1024 : i32
        %mul3A_37 = arith.muli %add3A_28, %mul3A_36 : i32
        "tpu.region"() ({
          %run_scoped3A_45 = tpu.sem_alloc : memref<!tpu.dma_semaphore, #tpu.memory_space<semaphore_mem>>
          %dma_start3A = arith.constant 0 : i32
          %dma_start3A_46 = tpu.memref_slice %arg3[%mul3A_37, %dma_start3A] : memref<957440x16xf32, #tpu.memory_space<hbm>> -> memref<1024x16xf32, #tpu.memory_space<hbm>>
          %dma_start3A_47 = arith.constant 0 : i32
          %dma_start3A_48 = tpu.memref_slice %arg3[%mul3A_37, %dma_start3A_47] : memref<957440x16xf32, #tpu.memory_space<hbm>> -> memref<1024x16xf32, #tpu.memory_space<hbm>>
          tpu.enqueue_dma source(%dma_start3A_48 : memref<1024x16xf32, #tpu.memory_space<hbm>>) target(%arg7 : memref<1024x16xf32, #tpu.memory_space<vmem>>) target_semaphore(%run_scoped3A_45 : memref<!tpu.dma_semaphore, #tpu.memory_space<semaphore_mem>>)
          %dma_wait3A = arith.constant 0 : i32
          %dma_wait3A_49 = tpu.memref_slice %arg3[%mul3A_37, %dma_wait3A] : memref<957440x16xf32, #tpu.memory_space<hbm>> -> memref<1024x16xf32, #tpu.memory_space<hbm>>
          %dma_wait3A_50 = arith.constant 0 : i32
          %dma_wait3A_51 = tpu.memref_slice %arg3[%mul3A_37, %dma_wait3A_50] : memref<957440x16xf32, #tpu.memory_space<hbm>> -> memref<1024x16xf32, #tpu.memory_space<hbm>>
          tpu.wait_dma2 semaphore(%run_scoped3A_45 : memref<!tpu.dma_semaphore, #tpu.memory_space<semaphore_mem>>) src(%dma_wait3A_51 : memref<1024x16xf32, #tpu.memory_space<hbm>>) dst(%arg7 : memref<1024x16xf32, #tpu.memory_space<vmem>>)
          tpu.yield
        }) : () -> ()
        %run_scoped3A = arith.constant 0 : i32
        "tpu.region"() ({
          %run_scoped3A_45 = tpu.sem_alloc : memref<!tpu.dma_semaphore, #tpu.memory_space<semaphore_mem>>
          %dma_start3A = arith.constant 0 : i32
          %dma_start3A_46 = arith.constant 0 : i32
          %dma_start3A_47 = tpu.memref_slice %arg7[%dma_start3A, %dma_start3A_46] : memref<1024x16xf32, #tpu.memory_space<vmem>> -> memref<128x16xf32, #tpu.memory_space<vmem>>
          %dma_start3A_48 = arith.constant 0 : i32
          %dma_start3A_49 = tpu.memref_slice %arg6[%run_scoped3A, %dma_start3A_48] : memref<8x128xi32, #tpu.memory_space<vmem>> -> memref<1x128xi32, #tpu.memory_space<vmem>>
          %dma_start3A_50 = tpu.memref_squeeze %dma_start3A_49 : memref<1x128xi32, #tpu.memory_space<vmem>> -> memref<128xi32, #tpu.memory_space<vmem>>
          %dma_start3A_51 = arith.constant 0 : i32
          %dma_start3A_52 = arith.constant 0 : i32
          %dma_start3A_53 = tpu.memref_slice %arg8[%dma_start3A_51, %dma_start3A_52] : memref<100000x16xf32, #tpu.memory_space<vmem_shared>> -> memref<100000x16xf32, #tpu.memory_space<vmem_shared>>
          tpu.enqueue_indirect_dma source(%dma_start3A_47 : memref<128x16xf32, #tpu.memory_space<vmem>>) target(%dma_start3A_53 : memref<100000x16xf32, #tpu.memory_space<vmem_shared>>) offsets(%dma_start3A_50 : memref<128xi32, #tpu.memory_space<vmem>>) semaphore(%run_scoped3A_45 : memref<!tpu.dma_semaphore, #tpu.memory_space<semaphore_mem>>) {add = true}
          %dma_wait3A = arith.constant 0 : i32
          %dma_wait3A_54 = arith.constant 0 : i32
          %dma_wait3A_55 = tpu.memref_slice %arg7[%dma_wait3A, %dma_wait3A_54] : memref<1024x16xf32, #tpu.memory_space<vmem>> -> memref<128x16xf32, #tpu.memory_space<vmem>>
          %dma_wait3A_56 = arith.constant 0 : i32
          %dma_wait3A_57 = tpu.memref_slice %arg6[%run_scoped3A, %dma_wait3A_56] : memref<8x128xi32, #tpu.memory_space<vmem>> -> memref<1x128xi32, #tpu.memory_space<vmem>>
          %dma_wait3A_58 = tpu.memref_squeeze %dma_wait3A_57 : memref<1x128xi32, #tpu.memory_space<vmem>> -> memref<128xi32, #tpu.memory_space<vmem>>
          %dma_wait3A_59 = arith.constant 0 : i32
          %dma_wait3A_60 = arith.constant 0 : i32
          %dma_wait3A_61 = tpu.memref_slice %arg8[%dma_wait3A_59, %dma_wait3A_60] : memref<100000x16xf32, #tpu.memory_space<vmem_shared>> -> memref<100000x16xf32, #tpu.memory_space<vmem_shared>>
          tpu.wait_indirect_dma semaphore(%run_scoped3A_45 : memref<!tpu.dma_semaphore, #tpu.memory_space<semaphore_mem>>) src(%dma_wait3A_55 : memref<128x16xf32, #tpu.memory_space<vmem>>) dst(%dma_wait3A_61 : memref<100000x16xf32, #tpu.memory_space<vmem_shared>>)
          tpu.yield
        }) : () -> ()
        %run_scoped3A_38 = arith.constant 1 : i32
        "tpu.region"() ({
          %run_scoped3A_45 = tpu.sem_alloc : memref<!tpu.dma_semaphore, #tpu.memory_space<semaphore_mem>>
          %dma_start3A = arith.constant 128 : i32
          %dma_start3A_46 = arith.constant 0 : i32
          %dma_start3A_47 = tpu.memref_slice %arg7[%dma_start3A, %dma_start3A_46] : memref<1024x16xf32, #tpu.memory_space<vmem>> -> memref<128x16xf32, #tpu.memory_space<vmem>>
          %dma_start3A_48 = arith.constant 0 : i32
          %dma_start3A_49 = tpu.memref_slice %arg6[%run_scoped3A_38, %dma_start3A_48] : memref<8x128xi32, #tpu.memory_space<vmem>> -> memref<1x128xi32, #tpu.memory_space<vmem>>
          %dma_start3A_50 = tpu.memref_squeeze %dma_start3A_49 : memref<1x128xi32, #tpu.memory_space<vmem>> -> memref<128xi32, #tpu.memory_space<vmem>>
          %dma_start3A_51 = arith.constant 0 : i32
          %dma_start3A_52 = arith.constant 0 : i32
          %dma_start3A_53 = tpu.memref_slice %arg8[%dma_start3A_51, %dma_start3A_52] : memref<100000x16xf32, #tpu.memory_space<vmem_shared>> -> memref<100000x16xf32, #tpu.memory_space<vmem_shared>>
          tpu.enqueue_indirect_dma source(%dma_start3A_47 : memref<128x16xf32, #tpu.memory_space<vmem>>) target(%dma_start3A_53 : memref<100000x16xf32, #tpu.memory_space<vmem_shared>>) offsets(%dma_start3A_50 : memref<128xi32, #tpu.memory_space<vmem>>) semaphore(%run_scoped3A_45 : memref<!tpu.dma_semaphore, #tpu.memory_space<semaphore_mem>>) {add = true}
          %dma_wait3A = arith.constant 128 : i32
          %dma_wait3A_54 = arith.constant 0 : i32
          %dma_wait3A_55 = tpu.memref_slice %arg7[%dma_wait3A, %dma_wait3A_54] : memref<1024x16xf32, #tpu.memory_space<vmem>> -> memref<128x16xf32, #tpu.memory_space<vmem>>
          %dma_wait3A_56 = arith.constant 0 : i32
          %dma_wait3A_57 = tpu.memref_slice %arg6[%run_scoped3A_38, %dma_wait3A_56] : memref<8x128xi32, #tpu.memory_space<vmem>> -> memref<1x128xi32, #tpu.memory_space<vmem>>
          %dma_wait3A_58 = tpu.memref_squeeze %dma_wait3A_57 : memref<1x128xi32, #tpu.memory_space<vmem>> -> memref<128xi32, #tpu.memory_space<vmem>>
          %dma_wait3A_59 = arith.constant 0 : i32
          %dma_wait3A_60 = arith.constant 0 : i32
          %dma_wait3A_61 = tpu.memref_slice %arg8[%dma_wait3A_59, %dma_wait3A_60] : memref<100000x16xf32, #tpu.memory_space<vmem_shared>> -> memref<100000x16xf32, #tpu.memory_space<vmem_shared>>
          tpu.wait_indirect_dma semaphore(%run_scoped3A_45 : memref<!tpu.dma_semaphore, #tpu.memory_space<semaphore_mem>>) src(%dma_wait3A_55 : memref<128x16xf32, #tpu.memory_space<vmem>>) dst(%dma_wait3A_61 : memref<100000x16xf32, #tpu.memory_space<vmem_shared>>)
          tpu.yield
        }) : () -> ()
        %run_scoped3A_39 = arith.constant 2 : i32
        "tpu.region"() ({
          %run_scoped3A_45 = tpu.sem_alloc : memref<!tpu.dma_semaphore, #tpu.memory_space<semaphore_mem>>
          %dma_start3A = arith.constant 256 : i32
          %dma_start3A_46 = arith.constant 0 : i32
          %dma_start3A_47 = tpu.memref_slice %arg7[%dma_start3A, %dma_start3A_46] : memref<1024x16xf32, #tpu.memory_space<vmem>> -> memref<128x16xf32, #tpu.memory_space<vmem>>
          %dma_start3A_48 = arith.constant 0 : i32
          %dma_start3A_49 = tpu.memref_slice %arg6[%run_scoped3A_39, %dma_start3A_48] : memref<8x128xi32, #tpu.memory_space<vmem>> -> memref<1x128xi32, #tpu.memory_space<vmem>>
          %dma_start3A_50 = tpu.memref_squeeze %dma_start3A_49 : memref<1x128xi32, #tpu.memory_space<vmem>> -> memref<128xi32, #tpu.memory_space<vmem>>
          %dma_start3A_51 = arith.constant 0 : i32
          %dma_start3A_52 = arith.constant 0 : i32
          %dma_start3A_53 = tpu.memref_slice %arg8[%dma_start3A_51, %dma_start3A_52] : memref<100000x16xf32, #tpu.memory_space<vmem_shared>> -> memref<100000x16xf32, #tpu.memory_space<vmem_shared>>
          tpu.enqueue_indirect_dma source(%dma_start3A_47 : memref<128x16xf32, #tpu.memory_space<vmem>>) target(%dma_start3A_53 : memref<100000x16xf32, #tpu.memory_space<vmem_shared>>) offsets(%dma_start3A_50 : memref<128xi32, #tpu.memory_space<vmem>>) semaphore(%run_scoped3A_45 : memref<!tpu.dma_semaphore, #tpu.memory_space<semaphore_mem>>) {add = true}
          %dma_wait3A = arith.constant 256 : i32
          %dma_wait3A_54 = arith.constant 0 : i32
          %dma_wait3A_55 = tpu.memref_slice %arg7[%dma_wait3A, %dma_wait3A_54] : memref<1024x16xf32, #tpu.memory_space<vmem>> -> memref<128x16xf32, #tpu.memory_space<vmem>>
          %dma_wait3A_56 = arith.constant 0 : i32
          %dma_wait3A_57 = tpu.memref_slice %arg6[%run_scoped3A_39, %dma_wait3A_56] : memref<8x128xi32, #tpu.memory_space<vmem>> -> memref<1x128xi32, #tpu.memory_space<vmem>>
          %dma_wait3A_58 = tpu.memref_squeeze %dma_wait3A_57 : memref<1x128xi32, #tpu.memory_space<vmem>> -> memref<128xi32, #tpu.memory_space<vmem>>
          %dma_wait3A_59 = arith.constant 0 : i32
          %dma_wait3A_60 = arith.constant 0 : i32
          %dma_wait3A_61 = tpu.memref_slice %arg8[%dma_wait3A_59, %dma_wait3A_60] : memref<100000x16xf32, #tpu.memory_space<vmem_shared>> -> memref<100000x16xf32, #tpu.memory_space<vmem_shared>>
          tpu.wait_indirect_dma semaphore(%run_scoped3A_45 : memref<!tpu.dma_semaphore, #tpu.memory_space<semaphore_mem>>) src(%dma_wait3A_55 : memref<128x16xf32, #tpu.memory_space<vmem>>) dst(%dma_wait3A_61 : memref<100000x16xf32, #tpu.memory_space<vmem_shared>>)
          tpu.yield
        }) : () -> ()
        %run_scoped3A_40 = arith.constant 3 : i32
        "tpu.region"() ({
          %run_scoped3A_45 = tpu.sem_alloc : memref<!tpu.dma_semaphore, #tpu.memory_space<semaphore_mem>>
          %dma_start3A = arith.constant 384 : i32
          %dma_start3A_46 = arith.constant 0 : i32
          %dma_start3A_47 = tpu.memref_slice %arg7[%dma_start3A, %dma_start3A_46] : memref<1024x16xf32, #tpu.memory_space<vmem>> -> memref<128x16xf32, #tpu.memory_space<vmem>>
          %dma_start3A_48 = arith.constant 0 : i32
          %dma_start3A_49 = tpu.memref_slice %arg6[%run_scoped3A_40, %dma_start3A_48] : memref<8x128xi32, #tpu.memory_space<vmem>> -> memref<1x128xi32, #tpu.memory_space<vmem>>
          %dma_start3A_50 = tpu.memref_squeeze %dma_start3A_49 : memref<1x128xi32, #tpu.memory_space<vmem>> -> memref<128xi32, #tpu.memory_space<vmem>>
          %dma_start3A_51 = arith.constant 0 : i32
          %dma_start3A_52 = arith.constant 0 : i32
          %dma_start3A_53 = tpu.memref_slice %arg8[%dma_start3A_51, %dma_start3A_52] : memref<100000x16xf32, #tpu.memory_space<vmem_shared>> -> memref<100000x16xf32, #tpu.memory_space<vmem_shared>>
          tpu.enqueue_indirect_dma source(%dma_start3A_47 : memref<128x16xf32, #tpu.memory_space<vmem>>) target(%dma_start3A_53 : memref<100000x16xf32, #tpu.memory_space<vmem_shared>>) offsets(%dma_start3A_50 : memref<128xi32, #tpu.memory_space<vmem>>) semaphore(%run_scoped3A_45 : memref<!tpu.dma_semaphore, #tpu.memory_space<semaphore_mem>>) {add = true}
          %dma_wait3A = arith.constant 384 : i32
          %dma_wait3A_54 = arith.constant 0 : i32
          %dma_wait3A_55 = tpu.memref_slice %arg7[%dma_wait3A, %dma_wait3A_54] : memref<1024x16xf32, #tpu.memory_space<vmem>> -> memref<128x16xf32, #tpu.memory_space<vmem>>
          %dma_wait3A_56 = arith.constant 0 : i32
          %dma_wait3A_57 = tpu.memref_slice %arg6[%run_scoped3A_40, %dma_wait3A_56] : memref<8x128xi32, #tpu.memory_space<vmem>> -> memref<1x128xi32, #tpu.memory_space<vmem>>
          %dma_wait3A_58 = tpu.memref_squeeze %dma_wait3A_57 : memref<1x128xi32, #tpu.memory_space<vmem>> -> memref<128xi32, #tpu.memory_space<vmem>>
          %dma_wait3A_59 = arith.constant 0 : i32
          %dma_wait3A_60 = arith.constant 0 : i32
          %dma_wait3A_61 = tpu.memref_slice %arg8[%dma_wait3A_59, %dma_wait3A_60] : memref<100000x16xf32, #tpu.memory_space<vmem_shared>> -> memref<100000x16xf32, #tpu.memory_space<vmem_shared>>
          tpu.wait_indirect_dma semaphore(%run_scoped3A_45 : memref<!tpu.dma_semaphore, #tpu.memory_space<semaphore_mem>>) src(%dma_wait3A_55 : memref<128x16xf32, #tpu.memory_space<vmem>>) dst(%dma_wait3A_61 : memref<100000x16xf32, #tpu.memory_space<vmem_shared>>)
          tpu.yield
        }) : () -> ()
        %run_scoped3A_41 = arith.constant 4 : i32
        "tpu.region"() ({
          %run_scoped3A_45 = tpu.sem_alloc : memref<!tpu.dma_semaphore, #tpu.memory_space<semaphore_mem>>
          %dma_start3A = arith.constant 512 : i32
          %dma_start3A_46 = arith.constant 0 : i32
          %dma_start3A_47 = tpu.memref_slice %arg7[%dma_start3A, %dma_start3A_46] : memref<1024x16xf32, #tpu.memory_space<vmem>> -> memref<128x16xf32, #tpu.memory_space<vmem>>
          %dma_start3A_48 = arith.constant 0 : i32
          %dma_start3A_49 = tpu.memref_slice %arg6[%run_scoped3A_41, %dma_start3A_48] : memref<8x128xi32, #tpu.memory_space<vmem>> -> memref<1x128xi32, #tpu.memory_space<vmem>>
          %dma_start3A_50 = tpu.memref_squeeze %dma_start3A_49 : memref<1x128xi32, #tpu.memory_space<vmem>> -> memref<128xi32, #tpu.memory_space<vmem>>
          %dma_start3A_51 = arith.constant 0 : i32
          %dma_start3A_52 = arith.constant 0 : i32
          %dma_start3A_53 = tpu.memref_slice %arg8[%dma_start3A_51, %dma_start3A_52] : memref<100000x16xf32, #tpu.memory_space<vmem_shared>> -> memref<100000x16xf32, #tpu.memory_space<vmem_shared>>
          tpu.enqueue_indirect_dma source(%dma_start3A_47 : memref<128x16xf32, #tpu.memory_space<vmem>>) target(%dma_start3A_53 : memref<100000x16xf32, #tpu.memory_space<vmem_shared>>) offsets(%dma_start3A_50 : memref<128xi32, #tpu.memory_space<vmem>>) semaphore(%run_scoped3A_45 : memref<!tpu.dma_semaphore, #tpu.memory_space<semaphore_mem>>) {add = true}
          %dma_wait3A = arith.constant 512 : i32
          %dma_wait3A_54 = arith.constant 0 : i32
          %dma_wait3A_55 = tpu.memref_slice %arg7[%dma_wait3A, %dma_wait3A_54] : memref<1024x16xf32, #tpu.memory_space<vmem>> -> memref<128x16xf32, #tpu.memory_space<vmem>>
          %dma_wait3A_56 = arith.constant 0 : i32
          %dma_wait3A_57 = tpu.memref_slice %arg6[%run_scoped3A_41, %dma_wait3A_56] : memref<8x128xi32, #tpu.memory_space<vmem>> -> memref<1x128xi32, #tpu.memory_space<vmem>>
          %dma_wait3A_58 = tpu.memref_squeeze %dma_wait3A_57 : memref<1x128xi32, #tpu.memory_space<vmem>> -> memref<128xi32, #tpu.memory_space<vmem>>
          %dma_wait3A_59 = arith.constant 0 : i32
          %dma_wait3A_60 = arith.constant 0 : i32
          %dma_wait3A_61 = tpu.memref_slice %arg8[%dma_wait3A_59, %dma_wait3A_60] : memref<100000x16xf32, #tpu.memory_space<vmem_shared>> -> memref<100000x16xf32, #tpu.memory_space<vmem_shared>>
          tpu.wait_indirect_dma semaphore(%run_scoped3A_45 : memref<!tpu.dma_semaphore, #tpu.memory_space<semaphore_mem>>) src(%dma_wait3A_55 : memref<128x16xf32, #tpu.memory_space<vmem>>) dst(%dma_wait3A_61 : memref<100000x16xf32, #tpu.memory_space<vmem_shared>>)
          tpu.yield
        }) : () -> ()
        %run_scoped3A_42 = arith.constant 5 : i32
        "tpu.region"() ({
          %run_scoped3A_45 = tpu.sem_alloc : memref<!tpu.dma_semaphore, #tpu.memory_space<semaphore_mem>>
          %dma_start3A = arith.constant 640 : i32
          %dma_start3A_46 = arith.constant 0 : i32
          %dma_start3A_47 = tpu.memref_slice %arg7[%dma_start3A, %dma_start3A_46] : memref<1024x16xf32, #tpu.memory_space<vmem>> -> memref<128x16xf32, #tpu.memory_space<vmem>>
          %dma_start3A_48 = arith.constant 0 : i32
          %dma_start3A_49 = tpu.memref_slice %arg6[%run_scoped3A_42, %dma_start3A_48] : memref<8x128xi32, #tpu.memory_space<vmem>> -> memref<1x128xi32, #tpu.memory_space<vmem>>
          %dma_start3A_50 = tpu.memref_squeeze %dma_start3A_49 : memref<1x128xi32, #tpu.memory_space<vmem>> -> memref<128xi32, #tpu.memory_space<vmem>>
          %dma_start3A_51 = arith.constant 0 : i32
          %dma_start3A_52 = arith.constant 0 : i32
          %dma_start3A_53 = tpu.memref_slice %arg8[%dma_start3A_51, %dma_start3A_52] : memref<100000x16xf32, #tpu.memory_space<vmem_shared>> -> memref<100000x16xf32, #tpu.memory_space<vmem_shared>>
          tpu.enqueue_indirect_dma source(%dma_start3A_47 : memref<128x16xf32, #tpu.memory_space<vmem>>) target(%dma_start3A_53 : memref<100000x16xf32, #tpu.memory_space<vmem_shared>>) offsets(%dma_start3A_50 : memref<128xi32, #tpu.memory_space<vmem>>) semaphore(%run_scoped3A_45 : memref<!tpu.dma_semaphore, #tpu.memory_space<semaphore_mem>>) {add = true}
          %dma_wait3A = arith.constant 640 : i32
          %dma_wait3A_54 = arith.constant 0 : i32
          %dma_wait3A_55 = tpu.memref_slice %arg7[%dma_wait3A, %dma_wait3A_54] : memref<1024x16xf32, #tpu.memory_space<vmem>> -> memref<128x16xf32, #tpu.memory_space<vmem>>
          %dma_wait3A_56 = arith.constant 0 : i32
          %dma_wait3A_57 = tpu.memref_slice %arg6[%run_scoped3A_42, %dma_wait3A_56] : memref<8x128xi32, #tpu.memory_space<vmem>> -> memref<1x128xi32, #tpu.memory_space<vmem>>
          %dma_wait3A_58 = tpu.memref_squeeze %dma_wait3A_57 : memref<1x128xi32, #tpu.memory_space<vmem>> -> memref<128xi32, #tpu.memory_space<vmem>>
          %dma_wait3A_59 = arith.constant 0 : i32
          %dma_wait3A_60 = arith.constant 0 : i32
          %dma_wait3A_61 = tpu.memref_slice %arg8[%dma_wait3A_59, %dma_wait3A_60] : memref<100000x16xf32, #tpu.memory_space<vmem_shared>> -> memref<100000x16xf32, #tpu.memory_space<vmem_shared>>
          tpu.wait_indirect_dma semaphore(%run_scoped3A_45 : memref<!tpu.dma_semaphore, #tpu.memory_space<semaphore_mem>>) src(%dma_wait3A_55 : memref<128x16xf32, #tpu.memory_space<vmem>>) dst(%dma_wait3A_61 : memref<100000x16xf32, #tpu.memory_space<vmem_shared>>)
          tpu.yield
        }) : () -> ()
        %run_scoped3A_43 = arith.constant 6 : i32
        "tpu.region"() ({
          %run_scoped3A_45 = tpu.sem_alloc : memref<!tpu.dma_semaphore, #tpu.memory_space<semaphore_mem>>
          %dma_start3A = arith.constant 768 : i32
          %dma_start3A_46 = arith.constant 0 : i32
          %dma_start3A_47 = tpu.memref_slice %arg7[%dma_start3A, %dma_start3A_46] : memref<1024x16xf32, #tpu.memory_space<vmem>> -> memref<128x16xf32, #tpu.memory_space<vmem>>
          %dma_start3A_48 = arith.constant 0 : i32
          %dma_start3A_49 = tpu.memref_slice %arg6[%run_scoped3A_43, %dma_start3A_48] : memref<8x128xi32, #tpu.memory_space<vmem>> -> memref<1x128xi32, #tpu.memory_space<vmem>>
          %dma_start3A_50 = tpu.memref_squeeze %dma_start3A_49 : memref<1x128xi32, #tpu.memory_space<vmem>> -> memref<128xi32, #tpu.memory_space<vmem>>
          %dma_start3A_51 = arith.constant 0 : i32
          %dma_start3A_52 = arith.constant 0 : i32
          %dma_start3A_53 = tpu.memref_slice %arg8[%dma_start3A_51, %dma_start3A_52] : memref<100000x16xf32, #tpu.memory_space<vmem_shared>> -> memref<100000x16xf32, #tpu.memory_space<vmem_shared>>
          tpu.enqueue_indirect_dma source(%dma_start3A_47 : memref<128x16xf32, #tpu.memory_space<vmem>>) target(%dma_start3A_53 : memref<100000x16xf32, #tpu.memory_space<vmem_shared>>) offsets(%dma_start3A_50 : memref<128xi32, #tpu.memory_space<vmem>>) semaphore(%run_scoped3A_45 : memref<!tpu.dma_semaphore, #tpu.memory_space<semaphore_mem>>) {add = true}
          %dma_wait3A = arith.constant 768 : i32
          %dma_wait3A_54 = arith.constant 0 : i32
          %dma_wait3A_55 = tpu.memref_slice %arg7[%dma_wait3A, %dma_wait3A_54] : memref<1024x16xf32, #tpu.memory_space<vmem>> -> memref<128x16xf32, #tpu.memory_space<vmem>>
          %dma_wait3A_56 = arith.constant 0 : i32
          %dma_wait3A_57 = tpu.memref_slice %arg6[%run_scoped3A_43, %dma_wait3A_56] : memref<8x128xi32, #tpu.memory_space<vmem>> -> memref<1x128xi32, #tpu.memory_space<vmem>>
          %dma_wait3A_58 = tpu.memref_squeeze %dma_wait3A_57 : memref<1x128xi32, #tpu.memory_space<vmem>> -> memref<128xi32, #tpu.memory_space<vmem>>
          %dma_wait3A_59 = arith.constant 0 : i32
          %dma_wait3A_60 = arith.constant 0 : i32
          %dma_wait3A_61 = tpu.memref_slice %arg8[%dma_wait3A_59, %dma_wait3A_60] : memref<100000x16xf32, #tpu.memory_space<vmem_shared>> -> memref<100000x16xf32, #tpu.memory_space<vmem_shared>>
          tpu.wait_indirect_dma semaphore(%run_scoped3A_45 : memref<!tpu.dma_semaphore, #tpu.memory_space<semaphore_mem>>) src(%dma_wait3A_55 : memref<128x16xf32, #tpu.memory_space<vmem>>) dst(%dma_wait3A_61 : memref<100000x16xf32, #tpu.memory_space<vmem_shared>>)
          tpu.yield
        }) : () -> ()
        %run_scoped3A_44 = arith.constant 7 : i32
        "tpu.region"() ({
          %run_scoped3A_45 = tpu.sem_alloc : memref<!tpu.dma_semaphore, #tpu.memory_space<semaphore_mem>>
          %dma_start3A = arith.constant 896 : i32
          %dma_start3A_46 = arith.constant 0 : i32
          %dma_start3A_47 = tpu.memref_slice %arg7[%dma_start3A, %dma_start3A_46] : memref<1024x16xf32, #tpu.memory_space<vmem>> -> memref<128x16xf32, #tpu.memory_space<vmem>>
          %dma_start3A_48 = arith.constant 0 : i32
          %dma_start3A_49 = tpu.memref_slice %arg6[%run_scoped3A_44, %dma_start3A_48] : memref<8x128xi32, #tpu.memory_space<vmem>> -> memref<1x128xi32, #tpu.memory_space<vmem>>
          %dma_start3A_50 = tpu.memref_squeeze %dma_start3A_49 : memref<1x128xi32, #tpu.memory_space<vmem>> -> memref<128xi32, #tpu.memory_space<vmem>>
          %dma_start3A_51 = arith.constant 0 : i32
          %dma_start3A_52 = arith.constant 0 : i32
          %dma_start3A_53 = tpu.memref_slice %arg8[%dma_start3A_51, %dma_start3A_52] : memref<100000x16xf32, #tpu.memory_space<vmem_shared>> -> memref<100000x16xf32, #tpu.memory_space<vmem_shared>>
          tpu.enqueue_indirect_dma source(%dma_start3A_47 : memref<128x16xf32, #tpu.memory_space<vmem>>) target(%dma_start3A_53 : memref<100000x16xf32, #tpu.memory_space<vmem_shared>>) offsets(%dma_start3A_50 : memref<128xi32, #tpu.memory_space<vmem>>) semaphore(%run_scoped3A_45 : memref<!tpu.dma_semaphore, #tpu.memory_space<semaphore_mem>>) {add = true}
          %dma_wait3A = arith.constant 896 : i32
          %dma_wait3A_54 = arith.constant 0 : i32
          %dma_wait3A_55 = tpu.memref_slice %arg7[%dma_wait3A, %dma_wait3A_54] : memref<1024x16xf32, #tpu.memory_space<vmem>> -> memref<128x16xf32, #tpu.memory_space<vmem>>
          %dma_wait3A_56 = arith.constant 0 : i32
          %dma_wait3A_57 = tpu.memref_slice %arg6[%run_scoped3A_44, %dma_wait3A_56] : memref<8x128xi32, #tpu.memory_space<vmem>> -> memref<1x128xi32, #tpu.memory_space<vmem>>
          %dma_wait3A_58 = tpu.memref_squeeze %dma_wait3A_57 : memref<1x128xi32, #tpu.memory_space<vmem>> -> memref<128xi32, #tpu.memory_space<vmem>>
          %dma_wait3A_59 = arith.constant 0 : i32
          %dma_wait3A_60 = arith.constant 0 : i32
          %dma_wait3A_61 = tpu.memref_slice %arg8[%dma_wait3A_59, %dma_wait3A_60] : memref<100000x16xf32, #tpu.memory_space<vmem_shared>> -> memref<100000x16xf32, #tpu.memory_space<vmem_shared>>
          tpu.wait_indirect_dma semaphore(%run_scoped3A_45 : memref<!tpu.dma_semaphore, #tpu.memory_space<semaphore_mem>>) src(%dma_wait3A_55 : memref<128x16xf32, #tpu.memory_space<vmem>>) dst(%dma_wait3A_61 : memref<100000x16xf32, #tpu.memory_space<vmem_shared>>)
          tpu.yield
        }) : () -> ()
      } else {
      }
    }
    %scan3A_13 = arith.constant 30 : i32
    %barrier3A_14 = arith.constant 0 : index
    tpu.barrier barrier_id(%barrier3A_14)
    %lt3A_15 = arith.constant 15 : i32
    %lt3A_16 = arith.cmpi slt, %arg1, %lt3A_15 : i32
    %convert_element_type3A_17 = arith.extui %lt3A_16 : i1 to i32
    %cond3A_18 = arith.constant 0 : i32
    %cond3A_19 = arith.cmpi ne, %convert_element_type3A_17, %cond3A_18 : i32
    scf.if %cond3A_19 {
      %mul3A_25 = arith.constant 100000 : i32
      %mul3A_26 = arith.muli %arg0, %mul3A_25 : i32
      %add3A_27 = arith.addi %mul3A_26, %mul3A_2 : i32
      "tpu.region"() ({
        %run_scoped3A = tpu.sem_alloc : memref<!tpu.dma_semaphore, #tpu.memory_space<semaphore_mem>>
        %dma_start3A = arith.constant 0 : i32
        %dma_start3A_28 = tpu.memref_slice %arg5[%add3A_27, %dma_start3A] : memref<200000x16xf32, #tpu.memory_space<hbm>> -> memref<6256x16xf32, #tpu.memory_space<hbm>>
        %dma_start3A_29 = arith.constant 0 : i32
        %dma_start3A_30 = tpu.memref_slice %arg8[%mul3A_2, %dma_start3A_29] : memref<100000x16xf32, #tpu.memory_space<vmem_shared>> -> memref<6256x16xf32, #tpu.memory_space<vmem_shared>>
        tpu.enqueue_dma source(%dma_start3A_30 : memref<6256x16xf32, #tpu.memory_space<vmem_shared>>) target(%dma_start3A_28 : memref<6256x16xf32, #tpu.memory_space<hbm>>) target_semaphore(%run_scoped3A : memref<!tpu.dma_semaphore, #tpu.memory_space<semaphore_mem>>)
        %dma_wait3A = arith.constant 0 : i32
        %dma_wait3A_31 = tpu.memref_slice %arg5[%add3A_27, %dma_wait3A] : memref<200000x16xf32, #tpu.memory_space<hbm>> -> memref<6256x16xf32, #tpu.memory_space<hbm>>
        %dma_wait3A_32 = arith.constant 0 : i32
        %dma_wait3A_33 = tpu.memref_slice %arg8[%mul3A_2, %dma_wait3A_32] : memref<100000x16xf32, #tpu.memory_space<vmem_shared>> -> memref<6256x16xf32, #tpu.memory_space<vmem_shared>>
        tpu.wait_dma2 semaphore(%run_scoped3A : memref<!tpu.dma_semaphore, #tpu.memory_space<semaphore_mem>>) src(%dma_wait3A_33 : memref<6256x16xf32, #tpu.memory_space<vmem_shared>>) dst(%dma_wait3A_31 : memref<6256x16xf32, #tpu.memory_space<hbm>>)
        tpu.yield
      }) : () -> ()
    } else {
    }
    %eq3A_20 = arith.constant 15 : i32
    %eq3A_21 = arith.cmpi eq, %arg1, %eq3A_20 : i32
    %convert_element_type3A_22 = arith.extui %eq3A_21 : i1 to i32
    %cond3A_23 = arith.constant 0 : i32
    %cond3A_24 = arith.cmpi ne, %convert_element_type3A_22, %cond3A_23 : i32
    scf.if %cond3A_24 {
      %mul3A_25 = arith.constant 100000 : i32
      %mul3A_26 = arith.muli %arg0, %mul3A_25 : i32
      %add3A_27 = arith.addi %mul3A_26, %mul3A_2 : i32
      "tpu.region"() ({
        %run_scoped3A = tpu.sem_alloc : memref<!tpu.dma_semaphore, #tpu.memory_space<semaphore_mem>>
        %dma_start3A = arith.constant 0 : i32
        %dma_start3A_28 = tpu.memref_slice %arg5[%add3A_27, %dma_start3A] : memref<200000x16xf32, #tpu.memory_space<hbm>> -> memref<6160x16xf32, #tpu.memory_space<hbm>>
        %dma_start3A_29 = arith.constant 0 : i32
        %dma_start3A_30 = tpu.memref_slice %arg8[%mul3A_2, %dma_start3A_29] : memref<100000x16xf32, #tpu.memory_space<vmem_shared>> -> memref<6160x16xf32, #tpu.memory_space<vmem_shared>>
        tpu.enqueue_dma source(%dma_start3A_30 : memref<6160x16xf32, #tpu.memory_space<vmem_shared>>) target(%dma_start3A_28 : memref<6160x16xf32, #tpu.memory_space<hbm>>) target_semaphore(%run_scoped3A : memref<!tpu.dma_semaphore, #tpu.memory_space<semaphore_mem>>)
        %dma_wait3A = arith.constant 0 : i32
        %dma_wait3A_31 = tpu.memref_slice %arg5[%add3A_27, %dma_wait3A] : memref<200000x16xf32, #tpu.memory_space<hbm>> -> memref<6160x16xf32, #tpu.memory_space<hbm>>
        %dma_wait3A_32 = arith.constant 0 : i32
        %dma_wait3A_33 = tpu.memref_slice %arg8[%mul3A_2, %dma_wait3A_32] : memref<100000x16xf32, #tpu.memory_space<vmem_shared>> -> memref<6160x16xf32, #tpu.memory_space<vmem_shared>>
        tpu.wait_dma2 semaphore(%run_scoped3A : memref<!tpu.dma_semaphore, #tpu.memory_space<semaphore_mem>>) src(%dma_wait3A_33 : memref<6160x16xf32, #tpu.memory_space<vmem_shared>>) dst(%dma_wait3A_31 : memref<6160x16xf32, #tpu.memory_space<hbm>>)
        tpu.yield
      }) : () -> ()
    } else {
    }
    return
  }
}

#map = affine_map<(d0, d1) -> (0, 0)>
module attributes {stable_mosaic.version = 14 : i64} {
  func.func @_sc_body(%arg0: i32, %arg1: i32, %arg2: memref<17520x128xi32, #tpu.memory_space<hbm>>, %arg3: memref<2242560x16xf32, #tpu.memory_space<hbm>>, %arg4: memref<100000x16xf32, #tpu.memory_space<hbm>>, %arg5: memref<200000x16xf32, #tpu.memory_space<hbm>>, %arg6: memref<8x128xi32, #tpu.memory_space<vmem>>, %arg7: memref<1024x16xf32, #tpu.memory_space<vmem>>, %arg8: memref<100000x16xf32, #tpu.memory_space<vmem_shared>>) attributes {dimension_semantics = [#tpu.dimension_semantics<core_parallel>, #tpu.dimension_semantics<subcore_parallel>], iteration_bounds = array<i64: 2, 16>, scalar_prefetch = 0 : i64, scratch_operands = 3 : i64, tpu.core_type = #tpu.core_type<sc_vector_subcore>, window_params = [{transform_indices = #map}, {transform_indices = #map}, {transform_indices = #map}, {transform_indices = #map}]} {
    %mul3A = arith.constant 2 : i32
    %mul3A_0 = arith.muli %arg1, %mul3A : i32
    %add3A = arith.addi %mul3A_0, %arg0 : i32
    %mul3A_1 = arith.constant 6256 : i32
    %mul3A_2 = arith.muli %arg1, %mul3A_1 : i32
    %lt3A = arith.constant 15 : i32
    %lt3A_3 = arith.cmpi slt, %arg1, %lt3A : i32
    %convert_element_type3A = arith.extui %lt3A_3 : i1 to i32
    %cond3A = arith.constant 0 : i32
    %cond3A_4 = arith.cmpi ne, %convert_element_type3A, %cond3A : i32
    scf.if %cond3A_4 {
      "tpu.region"() ({
        %run_scoped3A = tpu.sem_alloc : memref<!tpu.dma_semaphore, #tpu.memory_space<semaphore_mem>>
        %dma_start3A = arith.constant 0 : i32
        %dma_start3A_25 = tpu.memref_slice %arg8[%mul3A_2, %dma_start3A] : memref<100000x16xf32, #tpu.memory_space<vmem_shared>> -> memref<6256x16xf32, #tpu.memory_space<vmem_shared>>
        %dma_start3A_26 = arith.constant 0 : i32
        %dma_start3A_27 = tpu.memref_slice %arg4[%mul3A_2, %dma_start3A_26] : memref<100000x16xf32, #tpu.memory_space<hbm>> -> memref<6256x16xf32, #tpu.memory_space<hbm>>
        tpu.enqueue_dma source(%dma_start3A_27 : memref<6256x16xf32, #tpu.memory_space<hbm>>) target(%dma_start3A_25 : memref<6256x16xf32, #tpu.memory_space<vmem_shared>>) target_semaphore(%run_scoped3A : memref<!tpu.dma_semaphore, #tpu.memory_space<semaphore_mem>>)
        %dma_wait3A = arith.constant 0 : i32
        %dma_wait3A_28 = tpu.memref_slice %arg8[%mul3A_2, %dma_wait3A] : memref<100000x16xf32, #tpu.memory_space<vmem_shared>> -> memref<6256x16xf32, #tpu.memory_space<vmem_shared>>
        %dma_wait3A_29 = arith.constant 0 : i32
        %dma_wait3A_30 = tpu.memref_slice %arg4[%mul3A_2, %dma_wait3A_29] : memref<100000x16xf32, #tpu.memory_space<hbm>> -> memref<6256x16xf32, #tpu.memory_space<hbm>>
        tpu.wait_dma2 semaphore(%run_scoped3A : memref<!tpu.dma_semaphore, #tpu.memory_space<semaphore_mem>>) src(%dma_wait3A_30 : memref<6256x16xf32, #tpu.memory_space<hbm>>) dst(%dma_wait3A_28 : memref<6256x16xf32, #tpu.memory_space<vmem_shared>>)
        tpu.yield
      }) : () -> ()
    } else {
    }
    %eq3A = arith.constant 15 : i32
    %eq3A_5 = arith.cmpi eq, %arg1, %eq3A : i32
    %convert_element_type3A_6 = arith.extui %eq3A_5 : i1 to i32
    %cond3A_7 = arith.constant 0 : i32
    %cond3A_8 = arith.cmpi ne, %convert_element_type3A_6, %cond3A_7 : i32
    scf.if %cond3A_8 {
      "tpu.region"() ({
        %run_scoped3A = tpu.sem_alloc : memref<!tpu.dma_semaphore, #tpu.memory_space<semaphore_mem>>
        %dma_start3A = arith.constant 0 : i32
        %dma_start3A_25 = tpu.memref_slice %arg8[%mul3A_2, %dma_start3A] : memref<100000x16xf32, #tpu.memory_space<vmem_shared>> -> memref<6160x16xf32, #tpu.memory_space<vmem_shared>>
        %dma_start3A_26 = arith.constant 0 : i32
        %dma_start3A_27 = tpu.memref_slice %arg4[%mul3A_2, %dma_start3A_26] : memref<100000x16xf32, #tpu.memory_space<hbm>> -> memref<6160x16xf32, #tpu.memory_space<hbm>>
        tpu.enqueue_dma source(%dma_start3A_27 : memref<6160x16xf32, #tpu.memory_space<hbm>>) target(%dma_start3A_25 : memref<6160x16xf32, #tpu.memory_space<vmem_shared>>) target_semaphore(%run_scoped3A : memref<!tpu.dma_semaphore, #tpu.memory_space<semaphore_mem>>)
        %dma_wait3A = arith.constant 0 : i32
        %dma_wait3A_28 = tpu.memref_slice %arg8[%mul3A_2, %dma_wait3A] : memref<100000x16xf32, #tpu.memory_space<vmem_shared>> -> memref<6160x16xf32, #tpu.memory_space<vmem_shared>>
        %dma_wait3A_29 = arith.constant 0 : i32
        %dma_wait3A_30 = tpu.memref_slice %arg4[%mul3A_2, %dma_wait3A_29] : memref<100000x16xf32, #tpu.memory_space<hbm>> -> memref<6160x16xf32, #tpu.memory_space<hbm>>
        tpu.wait_dma2 semaphore(%run_scoped3A : memref<!tpu.dma_semaphore, #tpu.memory_space<semaphore_mem>>) src(%dma_wait3A_30 : memref<6160x16xf32, #tpu.memory_space<hbm>>) dst(%dma_wait3A_28 : memref<6160x16xf32, #tpu.memory_space<vmem_shared>>)
        tpu.yield
      }) : () -> ()
    } else {
    }
    %barrier3A = arith.constant 0 : index
    tpu.barrier barrier_id(%barrier3A)
    %scan3A = arith.constant 0 : i32
    %scan3A_9 = arith.constant 0 : i32
    %scan3A_10 = arith.constant 69 : i32
    %scan3A_11 = arith.addi %scan3A_9, %scan3A_10 : i32
    %scan3A_12 = arith.constant 1 : i32
    scf.for %scan3A_25 = %scan3A_9 to %scan3A_11 step %scan3A_12  : i32 {
      %mul3A_26 = arith.constant 32 : i32
      %mul3A_27 = arith.muli %scan3A_25, %mul3A_26 : i32
      %add3A_28 = arith.addi %mul3A_27, %add3A : i32
      %lt3A_29 = arith.constant 2190 : i32
      %lt3A_30 = arith.cmpi slt, %add3A_28, %lt3A_29 : i32
      %convert_element_type3A_31 = arith.extui %lt3A_30 : i1 to i32
      %cond3A_32 = arith.constant 0 : i32
      %cond3A_33 = arith.cmpi ne, %convert_element_type3A_31, %cond3A_32 : i32
      scf.if %cond3A_33 {
        %mul3A_34 = arith.constant 8 : i32
        %mul3A_35 = arith.muli %add3A_28, %mul3A_34 : i32
        "tpu.region"() ({
          %run_scoped3A_45 = tpu.sem_alloc : memref<!tpu.dma_semaphore, #tpu.memory_space<semaphore_mem>>
          %dma_start3A = arith.constant 0 : i32
          %dma_start3A_46 = tpu.memref_slice %arg2[%mul3A_35, %dma_start3A] : memref<17520x128xi32, #tpu.memory_space<hbm>> -> memref<8x128xi32, #tpu.memory_space<hbm>>
          %dma_start3A_47 = arith.constant 0 : i32
          %dma_start3A_48 = tpu.memref_slice %arg2[%mul3A_35, %dma_start3A_47] : memref<17520x128xi32, #tpu.memory_space<hbm>> -> memref<8x128xi32, #tpu.memory_space<hbm>>
          tpu.enqueue_dma source(%dma_start3A_48 : memref<8x128xi32, #tpu.memory_space<hbm>>) target(%arg6 : memref<8x128xi32, #tpu.memory_space<vmem>>) target_semaphore(%run_scoped3A_45 : memref<!tpu.dma_semaphore, #tpu.memory_space<semaphore_mem>>)
          %dma_wait3A = arith.constant 0 : i32
          %dma_wait3A_49 = tpu.memref_slice %arg2[%mul3A_35, %dma_wait3A] : memref<17520x128xi32, #tpu.memory_space<hbm>> -> memref<8x128xi32, #tpu.memory_space<hbm>>
          %dma_wait3A_50 = arith.constant 0 : i32
          %dma_wait3A_51 = tpu.memref_slice %arg2[%mul3A_35, %dma_wait3A_50] : memref<17520x128xi32, #tpu.memory_space<hbm>> -> memref<8x128xi32, #tpu.memory_space<hbm>>
          tpu.wait_dma2 semaphore(%run_scoped3A_45 : memref<!tpu.dma_semaphore, #tpu.memory_space<semaphore_mem>>) src(%dma_wait3A_51 : memref<8x128xi32, #tpu.memory_space<hbm>>) dst(%arg6 : memref<8x128xi32, #tpu.memory_space<vmem>>)
          tpu.yield
        }) : () -> ()
        %mul3A_36 = arith.constant 1024 : i32
        %mul3A_37 = arith.muli %add3A_28, %mul3A_36 : i32
        "tpu.region"() ({
          %run_scoped3A_45 = tpu.sem_alloc : memref<!tpu.dma_semaphore, #tpu.memory_space<semaphore_mem>>
          %dma_start3A = arith.constant 0 : i32
          %dma_start3A_46 = tpu.memref_slice %arg3[%mul3A_37, %dma_start3A] : memref<2242560x16xf32, #tpu.memory_space<hbm>> -> memref<1024x16xf32, #tpu.memory_space<hbm>>
          %dma_start3A_47 = arith.constant 0 : i32
          %dma_start3A_48 = tpu.memref_slice %arg3[%mul3A_37, %dma_start3A_47] : memref<2242560x16xf32, #tpu.memory_space<hbm>> -> memref<1024x16xf32, #tpu.memory_space<hbm>>
          tpu.enqueue_dma source(%dma_start3A_48 : memref<1024x16xf32, #tpu.memory_space<hbm>>) target(%arg7 : memref<1024x16xf32, #tpu.memory_space<vmem>>) target_semaphore(%run_scoped3A_45 : memref<!tpu.dma_semaphore, #tpu.memory_space<semaphore_mem>>)
          %dma_wait3A = arith.constant 0 : i32
          %dma_wait3A_49 = tpu.memref_slice %arg3[%mul3A_37, %dma_wait3A] : memref<2242560x16xf32, #tpu.memory_space<hbm>> -> memref<1024x16xf32, #tpu.memory_space<hbm>>
          %dma_wait3A_50 = arith.constant 0 : i32
          %dma_wait3A_51 = tpu.memref_slice %arg3[%mul3A_37, %dma_wait3A_50] : memref<2242560x16xf32, #tpu.memory_space<hbm>> -> memref<1024x16xf32, #tpu.memory_space<hbm>>
          tpu.wait_dma2 semaphore(%run_scoped3A_45 : memref<!tpu.dma_semaphore, #tpu.memory_space<semaphore_mem>>) src(%dma_wait3A_51 : memref<1024x16xf32, #tpu.memory_space<hbm>>) dst(%arg7 : memref<1024x16xf32, #tpu.memory_space<vmem>>)
          tpu.yield
        }) : () -> ()
        %run_scoped3A = arith.constant 0 : i32
        "tpu.region"() ({
          %run_scoped3A_45 = tpu.sem_alloc : memref<!tpu.dma_semaphore, #tpu.memory_space<semaphore_mem>>
          %dma_start3A = arith.constant 0 : i32
          %dma_start3A_46 = arith.constant 0 : i32
          %dma_start3A_47 = tpu.memref_slice %arg7[%dma_start3A, %dma_start3A_46] : memref<1024x16xf32, #tpu.memory_space<vmem>> -> memref<128x16xf32, #tpu.memory_space<vmem>>
          %dma_start3A_48 = arith.constant 0 : i32
          %dma_start3A_49 = tpu.memref_slice %arg6[%run_scoped3A, %dma_start3A_48] : memref<8x128xi32, #tpu.memory_space<vmem>> -> memref<1x128xi32, #tpu.memory_space<vmem>>
          %dma_start3A_50 = tpu.memref_squeeze %dma_start3A_49 : memref<1x128xi32, #tpu.memory_space<vmem>> -> memref<128xi32, #tpu.memory_space<vmem>>
          %dma_start3A_51 = arith.constant 0 : i32
          %dma_start3A_52 = arith.constant 0 : i32
          %dma_start3A_53 = tpu.memref_slice %arg8[%dma_start3A_51, %dma_start3A_52] : memref<100000x16xf32, #tpu.memory_space<vmem_shared>> -> memref<100000x16xf32, #tpu.memory_space<vmem_shared>>
          tpu.enqueue_indirect_dma source(%dma_start3A_47 : memref<128x16xf32, #tpu.memory_space<vmem>>) target(%dma_start3A_53 : memref<100000x16xf32, #tpu.memory_space<vmem_shared>>) offsets(%dma_start3A_50 : memref<128xi32, #tpu.memory_space<vmem>>) semaphore(%run_scoped3A_45 : memref<!tpu.dma_semaphore, #tpu.memory_space<semaphore_mem>>) {add = true}
          %dma_wait3A = arith.constant 0 : i32
          %dma_wait3A_54 = arith.constant 0 : i32
          %dma_wait3A_55 = tpu.memref_slice %arg7[%dma_wait3A, %dma_wait3A_54] : memref<1024x16xf32, #tpu.memory_space<vmem>> -> memref<128x16xf32, #tpu.memory_space<vmem>>
          %dma_wait3A_56 = arith.constant 0 : i32
          %dma_wait3A_57 = tpu.memref_slice %arg6[%run_scoped3A, %dma_wait3A_56] : memref<8x128xi32, #tpu.memory_space<vmem>> -> memref<1x128xi32, #tpu.memory_space<vmem>>
          %dma_wait3A_58 = tpu.memref_squeeze %dma_wait3A_57 : memref<1x128xi32, #tpu.memory_space<vmem>> -> memref<128xi32, #tpu.memory_space<vmem>>
          %dma_wait3A_59 = arith.constant 0 : i32
          %dma_wait3A_60 = arith.constant 0 : i32
          %dma_wait3A_61 = tpu.memref_slice %arg8[%dma_wait3A_59, %dma_wait3A_60] : memref<100000x16xf32, #tpu.memory_space<vmem_shared>> -> memref<100000x16xf32, #tpu.memory_space<vmem_shared>>
          tpu.wait_indirect_dma semaphore(%run_scoped3A_45 : memref<!tpu.dma_semaphore, #tpu.memory_space<semaphore_mem>>) src(%dma_wait3A_55 : memref<128x16xf32, #tpu.memory_space<vmem>>) dst(%dma_wait3A_61 : memref<100000x16xf32, #tpu.memory_space<vmem_shared>>)
          tpu.yield
        }) : () -> ()
        %run_scoped3A_38 = arith.constant 1 : i32
        "tpu.region"() ({
          %run_scoped3A_45 = tpu.sem_alloc : memref<!tpu.dma_semaphore, #tpu.memory_space<semaphore_mem>>
          %dma_start3A = arith.constant 128 : i32
          %dma_start3A_46 = arith.constant 0 : i32
          %dma_start3A_47 = tpu.memref_slice %arg7[%dma_start3A, %dma_start3A_46] : memref<1024x16xf32, #tpu.memory_space<vmem>> -> memref<128x16xf32, #tpu.memory_space<vmem>>
          %dma_start3A_48 = arith.constant 0 : i32
          %dma_start3A_49 = tpu.memref_slice %arg6[%run_scoped3A_38, %dma_start3A_48] : memref<8x128xi32, #tpu.memory_space<vmem>> -> memref<1x128xi32, #tpu.memory_space<vmem>>
          %dma_start3A_50 = tpu.memref_squeeze %dma_start3A_49 : memref<1x128xi32, #tpu.memory_space<vmem>> -> memref<128xi32, #tpu.memory_space<vmem>>
          %dma_start3A_51 = arith.constant 0 : i32
          %dma_start3A_52 = arith.constant 0 : i32
          %dma_start3A_53 = tpu.memref_slice %arg8[%dma_start3A_51, %dma_start3A_52] : memref<100000x16xf32, #tpu.memory_space<vmem_shared>> -> memref<100000x16xf32, #tpu.memory_space<vmem_shared>>
          tpu.enqueue_indirect_dma source(%dma_start3A_47 : memref<128x16xf32, #tpu.memory_space<vmem>>) target(%dma_start3A_53 : memref<100000x16xf32, #tpu.memory_space<vmem_shared>>) offsets(%dma_start3A_50 : memref<128xi32, #tpu.memory_space<vmem>>) semaphore(%run_scoped3A_45 : memref<!tpu.dma_semaphore, #tpu.memory_space<semaphore_mem>>) {add = true}
          %dma_wait3A = arith.constant 128 : i32
          %dma_wait3A_54 = arith.constant 0 : i32
          %dma_wait3A_55 = tpu.memref_slice %arg7[%dma_wait3A, %dma_wait3A_54] : memref<1024x16xf32, #tpu.memory_space<vmem>> -> memref<128x16xf32, #tpu.memory_space<vmem>>
          %dma_wait3A_56 = arith.constant 0 : i32
          %dma_wait3A_57 = tpu.memref_slice %arg6[%run_scoped3A_38, %dma_wait3A_56] : memref<8x128xi32, #tpu.memory_space<vmem>> -> memref<1x128xi32, #tpu.memory_space<vmem>>
          %dma_wait3A_58 = tpu.memref_squeeze %dma_wait3A_57 : memref<1x128xi32, #tpu.memory_space<vmem>> -> memref<128xi32, #tpu.memory_space<vmem>>
          %dma_wait3A_59 = arith.constant 0 : i32
          %dma_wait3A_60 = arith.constant 0 : i32
          %dma_wait3A_61 = tpu.memref_slice %arg8[%dma_wait3A_59, %dma_wait3A_60] : memref<100000x16xf32, #tpu.memory_space<vmem_shared>> -> memref<100000x16xf32, #tpu.memory_space<vmem_shared>>
          tpu.wait_indirect_dma semaphore(%run_scoped3A_45 : memref<!tpu.dma_semaphore, #tpu.memory_space<semaphore_mem>>) src(%dma_wait3A_55 : memref<128x16xf32, #tpu.memory_space<vmem>>) dst(%dma_wait3A_61 : memref<100000x16xf32, #tpu.memory_space<vmem_shared>>)
          tpu.yield
        }) : () -> ()
        %run_scoped3A_39 = arith.constant 2 : i32
        "tpu.region"() ({
          %run_scoped3A_45 = tpu.sem_alloc : memref<!tpu.dma_semaphore, #tpu.memory_space<semaphore_mem>>
          %dma_start3A = arith.constant 256 : i32
          %dma_start3A_46 = arith.constant 0 : i32
          %dma_start3A_47 = tpu.memref_slice %arg7[%dma_start3A, %dma_start3A_46] : memref<1024x16xf32, #tpu.memory_space<vmem>> -> memref<128x16xf32, #tpu.memory_space<vmem>>
          %dma_start3A_48 = arith.constant 0 : i32
          %dma_start3A_49 = tpu.memref_slice %arg6[%run_scoped3A_39, %dma_start3A_48] : memref<8x128xi32, #tpu.memory_space<vmem>> -> memref<1x128xi32, #tpu.memory_space<vmem>>
          %dma_start3A_50 = tpu.memref_squeeze %dma_start3A_49 : memref<1x128xi32, #tpu.memory_space<vmem>> -> memref<128xi32, #tpu.memory_space<vmem>>
          %dma_start3A_51 = arith.constant 0 : i32
          %dma_start3A_52 = arith.constant 0 : i32
          %dma_start3A_53 = tpu.memref_slice %arg8[%dma_start3A_51, %dma_start3A_52] : memref<100000x16xf32, #tpu.memory_space<vmem_shared>> -> memref<100000x16xf32, #tpu.memory_space<vmem_shared>>
          tpu.enqueue_indirect_dma source(%dma_start3A_47 : memref<128x16xf32, #tpu.memory_space<vmem>>) target(%dma_start3A_53 : memref<100000x16xf32, #tpu.memory_space<vmem_shared>>) offsets(%dma_start3A_50 : memref<128xi32, #tpu.memory_space<vmem>>) semaphore(%run_scoped3A_45 : memref<!tpu.dma_semaphore, #tpu.memory_space<semaphore_mem>>) {add = true}
          %dma_wait3A = arith.constant 256 : i32
          %dma_wait3A_54 = arith.constant 0 : i32
          %dma_wait3A_55 = tpu.memref_slice %arg7[%dma_wait3A, %dma_wait3A_54] : memref<1024x16xf32, #tpu.memory_space<vmem>> -> memref<128x16xf32, #tpu.memory_space<vmem>>
          %dma_wait3A_56 = arith.constant 0 : i32
          %dma_wait3A_57 = tpu.memref_slice %arg6[%run_scoped3A_39, %dma_wait3A_56] : memref<8x128xi32, #tpu.memory_space<vmem>> -> memref<1x128xi32, #tpu.memory_space<vmem>>
          %dma_wait3A_58 = tpu.memref_squeeze %dma_wait3A_57 : memref<1x128xi32, #tpu.memory_space<vmem>> -> memref<128xi32, #tpu.memory_space<vmem>>
          %dma_wait3A_59 = arith.constant 0 : i32
          %dma_wait3A_60 = arith.constant 0 : i32
          %dma_wait3A_61 = tpu.memref_slice %arg8[%dma_wait3A_59, %dma_wait3A_60] : memref<100000x16xf32, #tpu.memory_space<vmem_shared>> -> memref<100000x16xf32, #tpu.memory_space<vmem_shared>>
          tpu.wait_indirect_dma semaphore(%run_scoped3A_45 : memref<!tpu.dma_semaphore, #tpu.memory_space<semaphore_mem>>) src(%dma_wait3A_55 : memref<128x16xf32, #tpu.memory_space<vmem>>) dst(%dma_wait3A_61 : memref<100000x16xf32, #tpu.memory_space<vmem_shared>>)
          tpu.yield
        }) : () -> ()
        %run_scoped3A_40 = arith.constant 3 : i32
        "tpu.region"() ({
          %run_scoped3A_45 = tpu.sem_alloc : memref<!tpu.dma_semaphore, #tpu.memory_space<semaphore_mem>>
          %dma_start3A = arith.constant 384 : i32
          %dma_start3A_46 = arith.constant 0 : i32
          %dma_start3A_47 = tpu.memref_slice %arg7[%dma_start3A, %dma_start3A_46] : memref<1024x16xf32, #tpu.memory_space<vmem>> -> memref<128x16xf32, #tpu.memory_space<vmem>>
          %dma_start3A_48 = arith.constant 0 : i32
          %dma_start3A_49 = tpu.memref_slice %arg6[%run_scoped3A_40, %dma_start3A_48] : memref<8x128xi32, #tpu.memory_space<vmem>> -> memref<1x128xi32, #tpu.memory_space<vmem>>
          %dma_start3A_50 = tpu.memref_squeeze %dma_start3A_49 : memref<1x128xi32, #tpu.memory_space<vmem>> -> memref<128xi32, #tpu.memory_space<vmem>>
          %dma_start3A_51 = arith.constant 0 : i32
          %dma_start3A_52 = arith.constant 0 : i32
          %dma_start3A_53 = tpu.memref_slice %arg8[%dma_start3A_51, %dma_start3A_52] : memref<100000x16xf32, #tpu.memory_space<vmem_shared>> -> memref<100000x16xf32, #tpu.memory_space<vmem_shared>>
          tpu.enqueue_indirect_dma source(%dma_start3A_47 : memref<128x16xf32, #tpu.memory_space<vmem>>) target(%dma_start3A_53 : memref<100000x16xf32, #tpu.memory_space<vmem_shared>>) offsets(%dma_start3A_50 : memref<128xi32, #tpu.memory_space<vmem>>) semaphore(%run_scoped3A_45 : memref<!tpu.dma_semaphore, #tpu.memory_space<semaphore_mem>>) {add = true}
          %dma_wait3A = arith.constant 384 : i32
          %dma_wait3A_54 = arith.constant 0 : i32
          %dma_wait3A_55 = tpu.memref_slice %arg7[%dma_wait3A, %dma_wait3A_54] : memref<1024x16xf32, #tpu.memory_space<vmem>> -> memref<128x16xf32, #tpu.memory_space<vmem>>
          %dma_wait3A_56 = arith.constant 0 : i32
          %dma_wait3A_57 = tpu.memref_slice %arg6[%run_scoped3A_40, %dma_wait3A_56] : memref<8x128xi32, #tpu.memory_space<vmem>> -> memref<1x128xi32, #tpu.memory_space<vmem>>
          %dma_wait3A_58 = tpu.memref_squeeze %dma_wait3A_57 : memref<1x128xi32, #tpu.memory_space<vmem>> -> memref<128xi32, #tpu.memory_space<vmem>>
          %dma_wait3A_59 = arith.constant 0 : i32
          %dma_wait3A_60 = arith.constant 0 : i32
          %dma_wait3A_61 = tpu.memref_slice %arg8[%dma_wait3A_59, %dma_wait3A_60] : memref<100000x16xf32, #tpu.memory_space<vmem_shared>> -> memref<100000x16xf32, #tpu.memory_space<vmem_shared>>
          tpu.wait_indirect_dma semaphore(%run_scoped3A_45 : memref<!tpu.dma_semaphore, #tpu.memory_space<semaphore_mem>>) src(%dma_wait3A_55 : memref<128x16xf32, #tpu.memory_space<vmem>>) dst(%dma_wait3A_61 : memref<100000x16xf32, #tpu.memory_space<vmem_shared>>)
          tpu.yield
        }) : () -> ()
        %run_scoped3A_41 = arith.constant 4 : i32
        "tpu.region"() ({
          %run_scoped3A_45 = tpu.sem_alloc : memref<!tpu.dma_semaphore, #tpu.memory_space<semaphore_mem>>
          %dma_start3A = arith.constant 512 : i32
          %dma_start3A_46 = arith.constant 0 : i32
          %dma_start3A_47 = tpu.memref_slice %arg7[%dma_start3A, %dma_start3A_46] : memref<1024x16xf32, #tpu.memory_space<vmem>> -> memref<128x16xf32, #tpu.memory_space<vmem>>
          %dma_start3A_48 = arith.constant 0 : i32
          %dma_start3A_49 = tpu.memref_slice %arg6[%run_scoped3A_41, %dma_start3A_48] : memref<8x128xi32, #tpu.memory_space<vmem>> -> memref<1x128xi32, #tpu.memory_space<vmem>>
          %dma_start3A_50 = tpu.memref_squeeze %dma_start3A_49 : memref<1x128xi32, #tpu.memory_space<vmem>> -> memref<128xi32, #tpu.memory_space<vmem>>
          %dma_start3A_51 = arith.constant 0 : i32
          %dma_start3A_52 = arith.constant 0 : i32
          %dma_start3A_53 = tpu.memref_slice %arg8[%dma_start3A_51, %dma_start3A_52] : memref<100000x16xf32, #tpu.memory_space<vmem_shared>> -> memref<100000x16xf32, #tpu.memory_space<vmem_shared>>
          tpu.enqueue_indirect_dma source(%dma_start3A_47 : memref<128x16xf32, #tpu.memory_space<vmem>>) target(%dma_start3A_53 : memref<100000x16xf32, #tpu.memory_space<vmem_shared>>) offsets(%dma_start3A_50 : memref<128xi32, #tpu.memory_space<vmem>>) semaphore(%run_scoped3A_45 : memref<!tpu.dma_semaphore, #tpu.memory_space<semaphore_mem>>) {add = true}
          %dma_wait3A = arith.constant 512 : i32
          %dma_wait3A_54 = arith.constant 0 : i32
          %dma_wait3A_55 = tpu.memref_slice %arg7[%dma_wait3A, %dma_wait3A_54] : memref<1024x16xf32, #tpu.memory_space<vmem>> -> memref<128x16xf32, #tpu.memory_space<vmem>>
          %dma_wait3A_56 = arith.constant 0 : i32
          %dma_wait3A_57 = tpu.memref_slice %arg6[%run_scoped3A_41, %dma_wait3A_56] : memref<8x128xi32, #tpu.memory_space<vmem>> -> memref<1x128xi32, #tpu.memory_space<vmem>>
          %dma_wait3A_58 = tpu.memref_squeeze %dma_wait3A_57 : memref<1x128xi32, #tpu.memory_space<vmem>> -> memref<128xi32, #tpu.memory_space<vmem>>
          %dma_wait3A_59 = arith.constant 0 : i32
          %dma_wait3A_60 = arith.constant 0 : i32
          %dma_wait3A_61 = tpu.memref_slice %arg8[%dma_wait3A_59, %dma_wait3A_60] : memref<100000x16xf32, #tpu.memory_space<vmem_shared>> -> memref<100000x16xf32, #tpu.memory_space<vmem_shared>>
          tpu.wait_indirect_dma semaphore(%run_scoped3A_45 : memref<!tpu.dma_semaphore, #tpu.memory_space<semaphore_mem>>) src(%dma_wait3A_55 : memref<128x16xf32, #tpu.memory_space<vmem>>) dst(%dma_wait3A_61 : memref<100000x16xf32, #tpu.memory_space<vmem_shared>>)
          tpu.yield
        }) : () -> ()
        %run_scoped3A_42 = arith.constant 5 : i32
        "tpu.region"() ({
          %run_scoped3A_45 = tpu.sem_alloc : memref<!tpu.dma_semaphore, #tpu.memory_space<semaphore_mem>>
          %dma_start3A = arith.constant 640 : i32
          %dma_start3A_46 = arith.constant 0 : i32
          %dma_start3A_47 = tpu.memref_slice %arg7[%dma_start3A, %dma_start3A_46] : memref<1024x16xf32, #tpu.memory_space<vmem>> -> memref<128x16xf32, #tpu.memory_space<vmem>>
          %dma_start3A_48 = arith.constant 0 : i32
          %dma_start3A_49 = tpu.memref_slice %arg6[%run_scoped3A_42, %dma_start3A_48] : memref<8x128xi32, #tpu.memory_space<vmem>> -> memref<1x128xi32, #tpu.memory_space<vmem>>
          %dma_start3A_50 = tpu.memref_squeeze %dma_start3A_49 : memref<1x128xi32, #tpu.memory_space<vmem>> -> memref<128xi32, #tpu.memory_space<vmem>>
          %dma_start3A_51 = arith.constant 0 : i32
          %dma_start3A_52 = arith.constant 0 : i32
          %dma_start3A_53 = tpu.memref_slice %arg8[%dma_start3A_51, %dma_start3A_52] : memref<100000x16xf32, #tpu.memory_space<vmem_shared>> -> memref<100000x16xf32, #tpu.memory_space<vmem_shared>>
          tpu.enqueue_indirect_dma source(%dma_start3A_47 : memref<128x16xf32, #tpu.memory_space<vmem>>) target(%dma_start3A_53 : memref<100000x16xf32, #tpu.memory_space<vmem_shared>>) offsets(%dma_start3A_50 : memref<128xi32, #tpu.memory_space<vmem>>) semaphore(%run_scoped3A_45 : memref<!tpu.dma_semaphore, #tpu.memory_space<semaphore_mem>>) {add = true}
          %dma_wait3A = arith.constant 640 : i32
          %dma_wait3A_54 = arith.constant 0 : i32
          %dma_wait3A_55 = tpu.memref_slice %arg7[%dma_wait3A, %dma_wait3A_54] : memref<1024x16xf32, #tpu.memory_space<vmem>> -> memref<128x16xf32, #tpu.memory_space<vmem>>
          %dma_wait3A_56 = arith.constant 0 : i32
          %dma_wait3A_57 = tpu.memref_slice %arg6[%run_scoped3A_42, %dma_wait3A_56] : memref<8x128xi32, #tpu.memory_space<vmem>> -> memref<1x128xi32, #tpu.memory_space<vmem>>
          %dma_wait3A_58 = tpu.memref_squeeze %dma_wait3A_57 : memref<1x128xi32, #tpu.memory_space<vmem>> -> memref<128xi32, #tpu.memory_space<vmem>>
          %dma_wait3A_59 = arith.constant 0 : i32
          %dma_wait3A_60 = arith.constant 0 : i32
          %dma_wait3A_61 = tpu.memref_slice %arg8[%dma_wait3A_59, %dma_wait3A_60] : memref<100000x16xf32, #tpu.memory_space<vmem_shared>> -> memref<100000x16xf32, #tpu.memory_space<vmem_shared>>
          tpu.wait_indirect_dma semaphore(%run_scoped3A_45 : memref<!tpu.dma_semaphore, #tpu.memory_space<semaphore_mem>>) src(%dma_wait3A_55 : memref<128x16xf32, #tpu.memory_space<vmem>>) dst(%dma_wait3A_61 : memref<100000x16xf32, #tpu.memory_space<vmem_shared>>)
          tpu.yield
        }) : () -> ()
        %run_scoped3A_43 = arith.constant 6 : i32
        "tpu.region"() ({
          %run_scoped3A_45 = tpu.sem_alloc : memref<!tpu.dma_semaphore, #tpu.memory_space<semaphore_mem>>
          %dma_start3A = arith.constant 768 : i32
          %dma_start3A_46 = arith.constant 0 : i32
          %dma_start3A_47 = tpu.memref_slice %arg7[%dma_start3A, %dma_start3A_46] : memref<1024x16xf32, #tpu.memory_space<vmem>> -> memref<128x16xf32, #tpu.memory_space<vmem>>
          %dma_start3A_48 = arith.constant 0 : i32
          %dma_start3A_49 = tpu.memref_slice %arg6[%run_scoped3A_43, %dma_start3A_48] : memref<8x128xi32, #tpu.memory_space<vmem>> -> memref<1x128xi32, #tpu.memory_space<vmem>>
          %dma_start3A_50 = tpu.memref_squeeze %dma_start3A_49 : memref<1x128xi32, #tpu.memory_space<vmem>> -> memref<128xi32, #tpu.memory_space<vmem>>
          %dma_start3A_51 = arith.constant 0 : i32
          %dma_start3A_52 = arith.constant 0 : i32
          %dma_start3A_53 = tpu.memref_slice %arg8[%dma_start3A_51, %dma_start3A_52] : memref<100000x16xf32, #tpu.memory_space<vmem_shared>> -> memref<100000x16xf32, #tpu.memory_space<vmem_shared>>
          tpu.enqueue_indirect_dma source(%dma_start3A_47 : memref<128x16xf32, #tpu.memory_space<vmem>>) target(%dma_start3A_53 : memref<100000x16xf32, #tpu.memory_space<vmem_shared>>) offsets(%dma_start3A_50 : memref<128xi32, #tpu.memory_space<vmem>>) semaphore(%run_scoped3A_45 : memref<!tpu.dma_semaphore, #tpu.memory_space<semaphore_mem>>) {add = true}
          %dma_wait3A = arith.constant 768 : i32
          %dma_wait3A_54 = arith.constant 0 : i32
          %dma_wait3A_55 = tpu.memref_slice %arg7[%dma_wait3A, %dma_wait3A_54] : memref<1024x16xf32, #tpu.memory_space<vmem>> -> memref<128x16xf32, #tpu.memory_space<vmem>>
          %dma_wait3A_56 = arith.constant 0 : i32
          %dma_wait3A_57 = tpu.memref_slice %arg6[%run_scoped3A_43, %dma_wait3A_56] : memref<8x128xi32, #tpu.memory_space<vmem>> -> memref<1x128xi32, #tpu.memory_space<vmem>>
          %dma_wait3A_58 = tpu.memref_squeeze %dma_wait3A_57 : memref<1x128xi32, #tpu.memory_space<vmem>> -> memref<128xi32, #tpu.memory_space<vmem>>
          %dma_wait3A_59 = arith.constant 0 : i32
          %dma_wait3A_60 = arith.constant 0 : i32
          %dma_wait3A_61 = tpu.memref_slice %arg8[%dma_wait3A_59, %dma_wait3A_60] : memref<100000x16xf32, #tpu.memory_space<vmem_shared>> -> memref<100000x16xf32, #tpu.memory_space<vmem_shared>>
          tpu.wait_indirect_dma semaphore(%run_scoped3A_45 : memref<!tpu.dma_semaphore, #tpu.memory_space<semaphore_mem>>) src(%dma_wait3A_55 : memref<128x16xf32, #tpu.memory_space<vmem>>) dst(%dma_wait3A_61 : memref<100000x16xf32, #tpu.memory_space<vmem_shared>>)
          tpu.yield
        }) : () -> ()
        %run_scoped3A_44 = arith.constant 7 : i32
        "tpu.region"() ({
          %run_scoped3A_45 = tpu.sem_alloc : memref<!tpu.dma_semaphore, #tpu.memory_space<semaphore_mem>>
          %dma_start3A = arith.constant 896 : i32
          %dma_start3A_46 = arith.constant 0 : i32
          %dma_start3A_47 = tpu.memref_slice %arg7[%dma_start3A, %dma_start3A_46] : memref<1024x16xf32, #tpu.memory_space<vmem>> -> memref<128x16xf32, #tpu.memory_space<vmem>>
          %dma_start3A_48 = arith.constant 0 : i32
          %dma_start3A_49 = tpu.memref_slice %arg6[%run_scoped3A_44, %dma_start3A_48] : memref<8x128xi32, #tpu.memory_space<vmem>> -> memref<1x128xi32, #tpu.memory_space<vmem>>
          %dma_start3A_50 = tpu.memref_squeeze %dma_start3A_49 : memref<1x128xi32, #tpu.memory_space<vmem>> -> memref<128xi32, #tpu.memory_space<vmem>>
          %dma_start3A_51 = arith.constant 0 : i32
          %dma_start3A_52 = arith.constant 0 : i32
          %dma_start3A_53 = tpu.memref_slice %arg8[%dma_start3A_51, %dma_start3A_52] : memref<100000x16xf32, #tpu.memory_space<vmem_shared>> -> memref<100000x16xf32, #tpu.memory_space<vmem_shared>>
          tpu.enqueue_indirect_dma source(%dma_start3A_47 : memref<128x16xf32, #tpu.memory_space<vmem>>) target(%dma_start3A_53 : memref<100000x16xf32, #tpu.memory_space<vmem_shared>>) offsets(%dma_start3A_50 : memref<128xi32, #tpu.memory_space<vmem>>) semaphore(%run_scoped3A_45 : memref<!tpu.dma_semaphore, #tpu.memory_space<semaphore_mem>>) {add = true}
          %dma_wait3A = arith.constant 896 : i32
          %dma_wait3A_54 = arith.constant 0 : i32
          %dma_wait3A_55 = tpu.memref_slice %arg7[%dma_wait3A, %dma_wait3A_54] : memref<1024x16xf32, #tpu.memory_space<vmem>> -> memref<128x16xf32, #tpu.memory_space<vmem>>
          %dma_wait3A_56 = arith.constant 0 : i32
          %dma_wait3A_57 = tpu.memref_slice %arg6[%run_scoped3A_44, %dma_wait3A_56] : memref<8x128xi32, #tpu.memory_space<vmem>> -> memref<1x128xi32, #tpu.memory_space<vmem>>
          %dma_wait3A_58 = tpu.memref_squeeze %dma_wait3A_57 : memref<1x128xi32, #tpu.memory_space<vmem>> -> memref<128xi32, #tpu.memory_space<vmem>>
          %dma_wait3A_59 = arith.constant 0 : i32
          %dma_wait3A_60 = arith.constant 0 : i32
          %dma_wait3A_61 = tpu.memref_slice %arg8[%dma_wait3A_59, %dma_wait3A_60] : memref<100000x16xf32, #tpu.memory_space<vmem_shared>> -> memref<100000x16xf32, #tpu.memory_space<vmem_shared>>
          tpu.wait_indirect_dma semaphore(%run_scoped3A_45 : memref<!tpu.dma_semaphore, #tpu.memory_space<semaphore_mem>>) src(%dma_wait3A_55 : memref<128x16xf32, #tpu.memory_space<vmem>>) dst(%dma_wait3A_61 : memref<100000x16xf32, #tpu.memory_space<vmem_shared>>)
          tpu.yield
        }) : () -> ()
      } else {
      }
    }
    %scan3A_13 = arith.constant 69 : i32
    %barrier3A_14 = arith.constant 0 : index
    tpu.barrier barrier_id(%barrier3A_14)
    %lt3A_15 = arith.constant 15 : i32
    %lt3A_16 = arith.cmpi slt, %arg1, %lt3A_15 : i32
    %convert_element_type3A_17 = arith.extui %lt3A_16 : i1 to i32
    %cond3A_18 = arith.constant 0 : i32
    %cond3A_19 = arith.cmpi ne, %convert_element_type3A_17, %cond3A_18 : i32
    scf.if %cond3A_19 {
      %mul3A_25 = arith.constant 100000 : i32
      %mul3A_26 = arith.muli %arg0, %mul3A_25 : i32
      %add3A_27 = arith.addi %mul3A_26, %mul3A_2 : i32
      "tpu.region"() ({
        %run_scoped3A = tpu.sem_alloc : memref<!tpu.dma_semaphore, #tpu.memory_space<semaphore_mem>>
        %dma_start3A = arith.constant 0 : i32
        %dma_start3A_28 = tpu.memref_slice %arg5[%add3A_27, %dma_start3A] : memref<200000x16xf32, #tpu.memory_space<hbm>> -> memref<6256x16xf32, #tpu.memory_space<hbm>>
        %dma_start3A_29 = arith.constant 0 : i32
        %dma_start3A_30 = tpu.memref_slice %arg8[%mul3A_2, %dma_start3A_29] : memref<100000x16xf32, #tpu.memory_space<vmem_shared>> -> memref<6256x16xf32, #tpu.memory_space<vmem_shared>>
        tpu.enqueue_dma source(%dma_start3A_30 : memref<6256x16xf32, #tpu.memory_space<vmem_shared>>) target(%dma_start3A_28 : memref<6256x16xf32, #tpu.memory_space<hbm>>) target_semaphore(%run_scoped3A : memref<!tpu.dma_semaphore, #tpu.memory_space<semaphore_mem>>)
        %dma_wait3A = arith.constant 0 : i32
        %dma_wait3A_31 = tpu.memref_slice %arg5[%add3A_27, %dma_wait3A] : memref<200000x16xf32, #tpu.memory_space<hbm>> -> memref<6256x16xf32, #tpu.memory_space<hbm>>
        %dma_wait3A_32 = arith.constant 0 : i32
        %dma_wait3A_33 = tpu.memref_slice %arg8[%mul3A_2, %dma_wait3A_32] : memref<100000x16xf32, #tpu.memory_space<vmem_shared>> -> memref<6256x16xf32, #tpu.memory_space<vmem_shared>>
        tpu.wait_dma2 semaphore(%run_scoped3A : memref<!tpu.dma_semaphore, #tpu.memory_space<semaphore_mem>>) src(%dma_wait3A_33 : memref<6256x16xf32, #tpu.memory_space<vmem_shared>>) dst(%dma_wait3A_31 : memref<6256x16xf32, #tpu.memory_space<hbm>>)
        tpu.yield
      }) : () -> ()
    } else {
    }
    %eq3A_20 = arith.constant 15 : i32
    %eq3A_21 = arith.cmpi eq, %arg1, %eq3A_20 : i32
    %convert_element_type3A_22 = arith.extui %eq3A_21 : i1 to i32
    %cond3A_23 = arith.constant 0 : i32
    %cond3A_24 = arith.cmpi ne, %convert_element_type3A_22, %cond3A_23 : i32
    scf.if %cond3A_24 {
      %mul3A_25 = arith.constant 100000 : i32
      %mul3A_26 = arith.muli %arg0, %mul3A_25 : i32
      %add3A_27 = arith.addi %mul3A_26, %mul3A_2 : i32
      "tpu.region"() ({
        %run_scoped3A = tpu.sem_alloc : memref<!tpu.dma_semaphore, #tpu.memory_space<semaphore_mem>>
        %dma_start3A = arith.constant 0 : i32
        %dma_start3A_28 = tpu.memref_slice %arg5[%add3A_27, %dma_start3A] : memref<200000x16xf32, #tpu.memory_space<hbm>> -> memref<6160x16xf32, #tpu.memory_space<hbm>>
        %dma_start3A_29 = arith.constant 0 : i32
        %dma_start3A_30 = tpu.memref_slice %arg8[%mul3A_2, %dma_start3A_29] : memref<100000x16xf32, #tpu.memory_space<vmem_shared>> -> memref<6160x16xf32, #tpu.memory_space<vmem_shared>>
        tpu.enqueue_dma source(%dma_start3A_30 : memref<6160x16xf32, #tpu.memory_space<vmem_shared>>) target(%dma_start3A_28 : memref<6160x16xf32, #tpu.memory_space<hbm>>) target_semaphore(%run_scoped3A : memref<!tpu.dma_semaphore, #tpu.memory_space<semaphore_mem>>)
        %dma_wait3A = arith.constant 0 : i32
        %dma_wait3A_31 = tpu.memref_slice %arg5[%add3A_27, %dma_wait3A] : memref<200000x16xf32, #tpu.memory_space<hbm>> -> memref<6160x16xf32, #tpu.memory_space<hbm>>
        %dma_wait3A_32 = arith.constant 0 : i32
        %dma_wait3A_33 = tpu.memref_slice %arg8[%mul3A_2, %dma_wait3A_32] : memref<100000x16xf32, #tpu.memory_space<vmem_shared>> -> memref<6160x16xf32, #tpu.memory_space<vmem_shared>>
        tpu.wait_dma2 semaphore(%run_scoped3A : memref<!tpu.dma_semaphore, #tpu.memory_space<semaphore_mem>>) src(%dma_wait3A_33 : memref<6160x16xf32, #tpu.memory_space<vmem_shared>>) dst(%dma_wait3A_31 : memref<6160x16xf32, #tpu.memory_space<hbm>>)
        tpu.yield
      }) : () -> ()
    } else {
    }
    return
  }
}

module attributes {stable_mosaic.version = 14 : i64} {
  func.func @_xpose_body(%arg0: i32, %arg1: memref<16x5120xf32, #tpu.memory_space<vmem>>, %arg2: memref<640x128xf32, #tpu.memory_space<vmem>>) attributes {dimension_semantics = [#tpu.dimension_semantics<arbitrary>], iteration_bounds = array<i64: 187>, scalar_prefetch = 0 : i64, scratch_operands = 0 : i64, tpu.core_type = #tpu.core_type<tc>, window_params = [{transform_indices = @transform_0, window_bounds = array<i64: 16, 5120>}, {transform_indices = @transform_1, window_bounds = array<i64: 640, 128>}]} {
    %get3A = arith.constant 0 : index
    %get3A_0 = arith.constant 0 : index
    %get3A_1 = vector.load %arg1[%get3A, %get3A_0] : memref<16x5120xf32, #tpu.memory_space<vmem>>, vector<16x5120xf32>
    %transpose3A = tpu.transpose %get3A_1, [1, 0] : vector<16x5120xf32> -> vector<5120x16xf32>
    %reshape3A = vector.shape_cast %transpose3A : vector<5120x16xf32> to vector<640x8x16xf32>
    %slice3A = vector.extract_strided_slice %reshape3A {offsets = [0, 0, 0], sizes = [640, 1, 16], strides = [1, 1, 1]} : vector<640x8x16xf32> to vector<640x1x16xf32>
    %squeeze3A = vector.shape_cast %slice3A : vector<640x1x16xf32> to vector<640x16xf32>
    %swap3A = arith.constant 0 : index
    %swap3A_2 = arith.constant 0 : index
    %swap3A_3 = vector.load %arg2[%swap3A, %swap3A_2] : memref<640x128xf32, #tpu.memory_space<vmem>>, vector<640x16xf32>
    tpu.vector_store %arg2[%swap3A, %swap3A_2], %squeeze3A {strides = array<i32>} : memref<640x128xf32, #tpu.memory_space<vmem>>, vector<640x16xf32>,
    %slice3A_4 = vector.extract_strided_slice %reshape3A {offsets = [0, 1, 0], sizes = [640, 1, 16], strides = [1, 1, 1]} : vector<640x8x16xf32> to vector<640x1x16xf32>
    %squeeze3A_5 = vector.shape_cast %slice3A_4 : vector<640x1x16xf32> to vector<640x16xf32>
    %swap3A_6 = arith.constant 0 : index
    %swap3A_7 = arith.constant 16 : index
    %swap3A_8 = vector.load %arg2[%swap3A_6, %swap3A_7] : memref<640x128xf32, #tpu.memory_space<vmem>>, vector<640x16xf32>
    tpu.vector_store %arg2[%swap3A_6, %swap3A_7], %squeeze3A_5 {strides = array<i32>} : memref<640x128xf32, #tpu.memory_space<vmem>>, vector<640x16xf32>,
    %slice3A_9 = vector.extract_strided_slice %reshape3A {offsets = [0, 2, 0], sizes = [640, 1, 16], strides = [1, 1, 1]} : vector<640x8x16xf32> to vector<640x1x16xf32>
    %squeeze3A_10 = vector.shape_cast %slice3A_9 : vector<640x1x16xf32> to vector<640x16xf32>
    %swap3A_11 = arith.constant 0 : index
    %swap3A_12 = arith.constant 32 : index
    %swap3A_13 = vector.load %arg2[%swap3A_11, %swap3A_12] : memref<640x128xf32, #tpu.memory_space<vmem>>, vector<640x16xf32>
    tpu.vector_store %arg2[%swap3A_11, %swap3A_12], %squeeze3A_10 {strides = array<i32>} : memref<640x128xf32, #tpu.memory_space<vmem>>, vector<640x16xf32>,
    %slice3A_14 = vector.extract_strided_slice %reshape3A {offsets = [0, 3, 0], sizes = [640, 1, 16], strides = [1, 1, 1]} : vector<640x8x16xf32> to vector<640x1x16xf32>
    %squeeze3A_15 = vector.shape_cast %slice3A_14 : vector<640x1x16xf32> to vector<640x16xf32>
    %swap3A_16 = arith.constant 0 : index
    %swap3A_17 = arith.constant 48 : index
    %swap3A_18 = vector.load %arg2[%swap3A_16, %swap3A_17] : memref<640x128xf32, #tpu.memory_space<vmem>>, vector<640x16xf32>
    tpu.vector_store %arg2[%swap3A_16, %swap3A_17], %squeeze3A_15 {strides = array<i32>} : memref<640x128xf32, #tpu.memory_space<vmem>>, vector<640x16xf32>,
    %slice3A_19 = vector.extract_strided_slice %reshape3A {offsets = [0, 4, 0], sizes = [640, 1, 16], strides = [1, 1, 1]} : vector<640x8x16xf32> to vector<640x1x16xf32>
    %squeeze3A_20 = vector.shape_cast %slice3A_19 : vector<640x1x16xf32> to vector<640x16xf32>
    %swap3A_21 = arith.constant 0 : index
    %swap3A_22 = arith.constant 64 : index
    %swap3A_23 = vector.load %arg2[%swap3A_21, %swap3A_22] : memref<640x128xf32, #tpu.memory_space<vmem>>, vector<640x16xf32>
    tpu.vector_store %arg2[%swap3A_21, %swap3A_22], %squeeze3A_20 {strides = array<i32>} : memref<640x128xf32, #tpu.memory_space<vmem>>, vector<640x16xf32>,
    %slice3A_24 = vector.extract_strided_slice %reshape3A {offsets = [0, 5, 0], sizes = [640, 1, 16], strides = [1, 1, 1]} : vector<640x8x16xf32> to vector<640x1x16xf32>
    %squeeze3A_25 = vector.shape_cast %slice3A_24 : vector<640x1x16xf32> to vector<640x16xf32>
    %swap3A_26 = arith.constant 0 : index
    %swap3A_27 = arith.constant 80 : index
    %swap3A_28 = vector.load %arg2[%swap3A_26, %swap3A_27] : memref<640x128xf32, #tpu.memory_space<vmem>>, vector<640x16xf32>
    tpu.vector_store %arg2[%swap3A_26, %swap3A_27], %squeeze3A_25 {strides = array<i32>} : memref<640x128xf32, #tpu.memory_space<vmem>>, vector<640x16xf32>,
    %slice3A_29 = vector.extract_strided_slice %reshape3A {offsets = [0, 6, 0], sizes = [640, 1, 16], strides = [1, 1, 1]} : vector<640x8x16xf32> to vector<640x1x16xf32>
    %squeeze3A_30 = vector.shape_cast %slice3A_29 : vector<640x1x16xf32> to vector<640x16xf32>
    %swap3A_31 = arith.constant 0 : index
    %swap3A_32 = arith.constant 96 : index
    %swap3A_33 = vector.load %arg2[%swap3A_31, %swap3A_32] : memref<640x128xf32, #tpu.memory_space<vmem>>, vector<640x16xf32>
    tpu.vector_store %arg2[%swap3A_31, %swap3A_32], %squeeze3A_30 {strides = array<i32>} : memref<640x128xf32, #tpu.memory_space<vmem>>, vector<640x16xf32>,
    %slice3A_34 = vector.extract_strided_slice %reshape3A {offsets = [0, 7, 0], sizes = [640, 1, 16], strides = [1, 1, 1]} : vector<640x8x16xf32> to vector<640x1x16xf32>
    %squeeze3A_35 = vector.shape_cast %slice3A_34 : vector<640x1x16xf32> to vector<640x16xf32>
    %swap3A_36 = arith.constant 0 : index
    %swap3A_37 = arith.constant 112 : index
    %swap3A_38 = vector.load %arg2[%swap3A_36, %swap3A_37] : memref<640x128xf32, #tpu.memory_space<vmem>>, vector<640x16xf32>
    tpu.vector_store %arg2[%swap3A_36, %swap3A_37], %squeeze3A_35 {strides = array<i32>} : memref<640x128xf32, #tpu.memory_space<vmem>>, vector<640x16xf32>,
    return
  }
  func.func @transform_0(%arg0: i32) -> (i32, i32) {
    %add3A = arith.constant 438 : i32
    %add3A_0 = arith.addi %arg0, %add3A : i32
    %c0_i32 = arith.constant 0 : i32
    %c0_i32_1 = arith.constant 0 : i32
    return %c0_i32, %add3A_0 : i32, i32
  }
  func.func @transform_1(%arg0: i32) -> (i32, i32) {
    %c0_i32 = arith.constant 0 : i32
    %c0_i32_0 = arith.constant 0 : i32
    return %arg0, %c0_i32 : i32, i32
  }
}

module attributes {stable_mosaic.version = 14 : i64} {
  func.func @_xpose_body(%arg0: i32, %arg1: memref<16x5120xf32, #tpu.memory_space<vmem>>, %arg2: memref<640x128xf32, #tpu.memory_space<vmem>>) attributes {dimension_semantics = [#tpu.dimension_semantics<arbitrary>], iteration_bounds = array<i64: 438>, scalar_prefetch = 0 : i64, scratch_operands = 0 : i64, tpu.core_type = #tpu.core_type<tc>, window_params = [{transform_indices = @transform_0, window_bounds = array<i64: 16, 5120>}, {transform_indices = @transform_1, window_bounds = array<i64: 640, 128>}]} {
    %get3A = arith.constant 0 : index
    %get3A_0 = arith.constant 0 : index
    %get3A_1 = vector.load %arg1[%get3A, %get3A_0] : memref<16x5120xf32, #tpu.memory_space<vmem>>, vector<16x5120xf32>
    %transpose3A = tpu.transpose %get3A_1, [1, 0] : vector<16x5120xf32> -> vector<5120x16xf32>
    %reshape3A = vector.shape_cast %transpose3A : vector<5120x16xf32> to vector<640x8x16xf32>
    %slice3A = vector.extract_strided_slice %reshape3A {offsets = [0, 0, 0], sizes = [640, 1, 16], strides = [1, 1, 1]} : vector<640x8x16xf32> to vector<640x1x16xf32>
    %squeeze3A = vector.shape_cast %slice3A : vector<640x1x16xf32> to vector<640x16xf32>
    %swap3A = arith.constant 0 : index
    %swap3A_2 = arith.constant 0 : index
    %swap3A_3 = vector.load %arg2[%swap3A, %swap3A_2] : memref<640x128xf32, #tpu.memory_space<vmem>>, vector<640x16xf32>
    tpu.vector_store %arg2[%swap3A, %swap3A_2], %squeeze3A {strides = array<i32>} : memref<640x128xf32, #tpu.memory_space<vmem>>, vector<640x16xf32>,
    %slice3A_4 = vector.extract_strided_slice %reshape3A {offsets = [0, 1, 0], sizes = [640, 1, 16], strides = [1, 1, 1]} : vector<640x8x16xf32> to vector<640x1x16xf32>
    %squeeze3A_5 = vector.shape_cast %slice3A_4 : vector<640x1x16xf32> to vector<640x16xf32>
    %swap3A_6 = arith.constant 0 : index
    %swap3A_7 = arith.constant 16 : index
    %swap3A_8 = vector.load %arg2[%swap3A_6, %swap3A_7] : memref<640x128xf32, #tpu.memory_space<vmem>>, vector<640x16xf32>
    tpu.vector_store %arg2[%swap3A_6, %swap3A_7], %squeeze3A_5 {strides = array<i32>} : memref<640x128xf32, #tpu.memory_space<vmem>>, vector<640x16xf32>,
    %slice3A_9 = vector.extract_strided_slice %reshape3A {offsets = [0, 2, 0], sizes = [640, 1, 16], strides = [1, 1, 1]} : vector<640x8x16xf32> to vector<640x1x16xf32>
    %squeeze3A_10 = vector.shape_cast %slice3A_9 : vector<640x1x16xf32> to vector<640x16xf32>
    %swap3A_11 = arith.constant 0 : index
    %swap3A_12 = arith.constant 32 : index
    %swap3A_13 = vector.load %arg2[%swap3A_11, %swap3A_12] : memref<640x128xf32, #tpu.memory_space<vmem>>, vector<640x16xf32>
    tpu.vector_store %arg2[%swap3A_11, %swap3A_12], %squeeze3A_10 {strides = array<i32>} : memref<640x128xf32, #tpu.memory_space<vmem>>, vector<640x16xf32>,
    %slice3A_14 = vector.extract_strided_slice %reshape3A {offsets = [0, 3, 0], sizes = [640, 1, 16], strides = [1, 1, 1]} : vector<640x8x16xf32> to vector<640x1x16xf32>
    %squeeze3A_15 = vector.shape_cast %slice3A_14 : vector<640x1x16xf32> to vector<640x16xf32>
    %swap3A_16 = arith.constant 0 : index
    %swap3A_17 = arith.constant 48 : index
    %swap3A_18 = vector.load %arg2[%swap3A_16, %swap3A_17] : memref<640x128xf32, #tpu.memory_space<vmem>>, vector<640x16xf32>
    tpu.vector_store %arg2[%swap3A_16, %swap3A_17], %squeeze3A_15 {strides = array<i32>} : memref<640x128xf32, #tpu.memory_space<vmem>>, vector<640x16xf32>,
    %slice3A_19 = vector.extract_strided_slice %reshape3A {offsets = [0, 4, 0], sizes = [640, 1, 16], strides = [1, 1, 1]} : vector<640x8x16xf32> to vector<640x1x16xf32>
    %squeeze3A_20 = vector.shape_cast %slice3A_19 : vector<640x1x16xf32> to vector<640x16xf32>
    %swap3A_21 = arith.constant 0 : index
    %swap3A_22 = arith.constant 64 : index
    %swap3A_23 = vector.load %arg2[%swap3A_21, %swap3A_22] : memref<640x128xf32, #tpu.memory_space<vmem>>, vector<640x16xf32>
    tpu.vector_store %arg2[%swap3A_21, %swap3A_22], %squeeze3A_20 {strides = array<i32>} : memref<640x128xf32, #tpu.memory_space<vmem>>, vector<640x16xf32>,
    %slice3A_24 = vector.extract_strided_slice %reshape3A {offsets = [0, 5, 0], sizes = [640, 1, 16], strides = [1, 1, 1]} : vector<640x8x16xf32> to vector<640x1x16xf32>
    %squeeze3A_25 = vector.shape_cast %slice3A_24 : vector<640x1x16xf32> to vector<640x16xf32>
    %swap3A_26 = arith.constant 0 : index
    %swap3A_27 = arith.constant 80 : index
    %swap3A_28 = vector.load %arg2[%swap3A_26, %swap3A_27] : memref<640x128xf32, #tpu.memory_space<vmem>>, vector<640x16xf32>
    tpu.vector_store %arg2[%swap3A_26, %swap3A_27], %squeeze3A_25 {strides = array<i32>} : memref<640x128xf32, #tpu.memory_space<vmem>>, vector<640x16xf32>,
    %slice3A_29 = vector.extract_strided_slice %reshape3A {offsets = [0, 6, 0], sizes = [640, 1, 16], strides = [1, 1, 1]} : vector<640x8x16xf32> to vector<640x1x16xf32>
    %squeeze3A_30 = vector.shape_cast %slice3A_29 : vector<640x1x16xf32> to vector<640x16xf32>
    %swap3A_31 = arith.constant 0 : index
    %swap3A_32 = arith.constant 96 : index
    %swap3A_33 = vector.load %arg2[%swap3A_31, %swap3A_32] : memref<640x128xf32, #tpu.memory_space<vmem>>, vector<640x16xf32>
    tpu.vector_store %arg2[%swap3A_31, %swap3A_32], %squeeze3A_30 {strides = array<i32>} : memref<640x128xf32, #tpu.memory_space<vmem>>, vector<640x16xf32>,
    %slice3A_34 = vector.extract_strided_slice %reshape3A {offsets = [0, 7, 0], sizes = [640, 1, 16], strides = [1, 1, 1]} : vector<640x8x16xf32> to vector<640x1x16xf32>
    %squeeze3A_35 = vector.shape_cast %slice3A_34 : vector<640x1x16xf32> to vector<640x16xf32>
    %swap3A_36 = arith.constant 0 : index
    %swap3A_37 = arith.constant 112 : index
    %swap3A_38 = vector.load %arg2[%swap3A_36, %swap3A_37] : memref<640x128xf32, #tpu.memory_space<vmem>>, vector<640x16xf32>
    tpu.vector_store %arg2[%swap3A_36, %swap3A_37], %squeeze3A_35 {strides = array<i32>} : memref<640x128xf32, #tpu.memory_space<vmem>>, vector<640x16xf32>,
    return
  }
  func.func @transform_0(%arg0: i32) -> (i32, i32) {
    %add3A = arith.constant 0 : i32
    %add3A_0 = arith.addi %arg0, %add3A : i32
    %c0_i32 = arith.constant 0 : i32
    %c0_i32_1 = arith.constant 0 : i32
    return %c0_i32, %add3A_0 : i32, i32
  }
  func.func @transform_1(%arg0: i32) -> (i32, i32) {
    %c0_i32 = arith.constant 0 : i32
    %c0_i32_0 = arith.constant 0 : i32
    return %arg0, %c0_i32 : i32, i32
  }
}

module attributes {stable_mosaic.version = 14 : i64} {
  func.func @_mlp_x_body(%arg0: i32, %arg1: memref<4000x128xf32, #tpu.memory_space<vmem>>, %arg2: memref<1x1x4000xi32, #tpu.memory_space<vmem>>, %arg3: memref<16x64xf32, #tpu.memory_space<vmem>>, %arg4: memref<16x208xf32, #tpu.memory_space<vmem>>, %arg5: memref<1x16xf32, #tpu.memory_space<vmem>>, %arg6: memref<4000x16xf32, #tpu.memory_space<vmem>>) attributes {dimension_semantics = [#tpu.dimension_semantics<arbitrary>], iteration_bounds = array<i64: 25>, scalar_prefetch = 0 : i64, scratch_operands = 0 : i64, tpu.core_type = #tpu.core_type<tc>, window_params = [{transform_indices = @transform_0, window_bounds = array<i64: 4000, 128>}, {transform_indices = @transform_1, window_bounds = array<i64: 1, 1, 4000>}, {pipeline_mode = #tpu.pipeline_mode<synchronous>, transform_indices = @transform_2, window_bounds = array<i64: 16, 64>}, {pipeline_mode = #tpu.pipeline_mode<synchronous>, transform_indices = @transform_3, window_bounds = array<i64: 16, 208>}, {pipeline_mode = #tpu.pipeline_mode<synchronous>, transform_indices = @transform_4, window_bounds = array<i64: 1, 16>}, {transform_indices = @transform_5, window_bounds = array<i64: 4000, 16>}]} {
    %get3A = arith.constant 0 : index
    %get3A_0 = arith.constant 0 : index
    %get3A_1 = vector.load %arg4[%get3A, %get3A_0] : memref<16x208xf32, #tpu.memory_space<vmem>>, vector<16x208xf32>
    %get3A_2 = arith.constant 0 : index
    %get3A_3 = arith.constant 0 : index
    %get3A_4 = vector.load %arg3[%get3A_2, %get3A_3] : memref<16x64xf32, #tpu.memory_space<vmem>>, vector<16x64xf32>
    %slice3A = vector.extract_strided_slice %get3A_1 {offsets = [0, 144], sizes = [16, 64], strides = [1, 1]} : vector<16x208xf32> to vector<16x64xf32>
    %dot_general3A = arith.constant dense<0.000000e+00> : vector<16x16xf32>
    %dot_general3A_5 = tpu.matmul %get3A_4, %slice3A, %dot_general3A {dimension_numbers = #tpu.dot_dimension_numbers<[1], [1], [0], [0], [0, 0, 1, 0], [], []>, transpose_lhs_hint = false} : vector<16x64xf32>, vector<16x64xf32>, vector<16x16xf32> -> vector<16x16xf32>
    %get3A_6 = arith.constant 0 : index
    %get3A_7 = arith.constant 0 : index
    %get3A_8 = vector.load %arg5[%get3A_6, %get3A_7] : memref<1x16xf32, #tpu.memory_space<vmem>>, vector<1x16xf32>
    %add3A = vector.broadcast %get3A_8 : vector<1x16xf32> to vector<16x16xf32>
    %add3A_9 = arith.addf %dot_general3A_5, %add3A : vector<16x16xf32>
    %get3A_10 = arith.constant 0 : index
    %get3A_11 = arith.constant 0 : index
    %get3A_12 = arith.constant 0 : index
    %get3A_13 = vector.load %arg2[%get3A_10, %get3A_11, %get3A_12] : memref<1x1x4000xi32, #tpu.memory_space<vmem>>, vector<1x1x4000xi32>
    %get3A_14 = vector.shape_cast %get3A_13 : vector<1x1x4000xi32> to vector<4000xi32>
    %broadcast_in_dim3A = vector.shape_cast %get3A_14 : vector<4000xi32> to vector<4000x1xi32>
    %iota3A = tpu.iota {dimensions = array<i32: 1>} : vector<1x16xi32>
    %eq3A = vector.broadcast %broadcast_in_dim3A : vector<4000x1xi32> to vector<4000x16xi32>
    %eq3A_15 = vector.broadcast %iota3A : vector<1x16xi32> to vector<4000x16xi32>
    %eq3A_16 = arith.cmpi eq, %eq3A, %eq3A_15 : vector<4000x16xi32>
    %convert_element_type3A = arith.extui %eq3A_16 : vector<4000x16xi1> to vector<4000x16xi32>
    %convert_element_type3A_17 = arith.sitofp %convert_element_type3A : vector<4000x16xi32> to vector<4000x16xf32>
    %get3A_18 = arith.constant 0 : index
    %get3A_19 = arith.constant 0 : index
    %get3A_20 = vector.load %arg1[%get3A_18, %get3A_19] : memref<4000x128xf32, #tpu.memory_space<vmem>>, vector<4000x128xf32>
    %slice3A_21 = vector.extract_strided_slice %get3A_1 {offsets = [0, 0], sizes = [16, 128], strides = [1, 1]} : vector<16x208xf32> to vector<16x128xf32>
    %dot_general3A_22 = arith.constant dense<0.000000e+00> : vector<4000x16xf32>
    %dot_general3A_23 = tpu.matmul %get3A_20, %slice3A_21, %dot_general3A_22 {dimension_numbers = #tpu.dot_dimension_numbers<[1], [1], [0], [0], [0, 0, 1, 0], [], []>, transpose_lhs_hint = false} : vector<4000x128xf32>, vector<16x128xf32>, vector<4000x16xf32> -> vector<4000x16xf32>
    %dot_general3A_24 = arith.constant dense<0.000000e+00> : vector<4000x16xf32>
    %dot_general3A_25 = tpu.matmul %convert_element_type3A_17, %add3A_9, %dot_general3A_24 {dimension_numbers = #tpu.dot_dimension_numbers<[1], [0], [0], [1], [0, 0, 1, 1], [], []>, transpose_lhs_hint = false} : vector<4000x16xf32>, vector<16x16xf32>, vector<4000x16xf32> -> vector<4000x16xf32>
    %add3A_26 = arith.addf %dot_general3A_23, %dot_general3A_25 : vector<4000x16xf32>
    %swap3A = arith.constant 0 : index
    %swap3A_27 = arith.constant 0 : index
    %swap3A_28 = vector.load %arg6[%swap3A, %swap3A_27] : memref<4000x16xf32, #tpu.memory_space<vmem>>, vector<4000x16xf32>
    tpu.vector_store %arg6[%swap3A, %swap3A_27], %add3A_26 {strides = array<i32>} : memref<4000x16xf32, #tpu.memory_space<vmem>>, vector<4000x16xf32>,
    return
  }
  func.func @transform_0(%arg0: i32) -> (i32, i32) {
    %c0_i32 = arith.constant 0 : i32
    %c0_i32_0 = arith.constant 0 : i32
    return %arg0, %c0_i32 : i32, i32
  }
  func.func @transform_1(%arg0: i32) -> (i32, i32, i32) {
    %c0_i32 = arith.constant 0 : i32
    %c0_i32_0 = arith.constant 0 : i32
    %c0_i32_1 = arith.constant 0 : i32
    return %arg0, %c0_i32, %c0_i32_0 : i32, i32, i32
  }
  func.func @transform_2(%arg0: i32) -> (i32, i32) {
    %c0_i32 = arith.constant 0 : i32
    %c0_i32_0 = arith.constant 0 : i32
    %c0_i32_1 = arith.constant 0 : i32
    return %c0_i32, %c0_i32_0 : i32, i32
  }
  func.func @transform_3(%arg0: i32) -> (i32, i32) {
    %c0_i32 = arith.constant 0 : i32
    %c0_i32_0 = arith.constant 0 : i32
    %c0_i32_1 = arith.constant 0 : i32
    return %c0_i32, %c0_i32_0 : i32, i32
  }
  func.func @transform_4(%arg0: i32) -> (i32, i32) {
    %c0_i32 = arith.constant 0 : i32
    %c0_i32_0 = arith.constant 0 : i32
    %c0_i32_1 = arith.constant 0 : i32
    return %c0_i32, %c0_i32_0 : i32, i32
  }
  func.func @transform_5(%arg0: i32) -> (i32, i32) {
    %c0_i32 = arith.constant 0 : i32
    %c0_i32_0 = arith.constant 0 : i32
    return %arg0, %c0_i32 : i32, i32
  }
}

module attributes {stable_mosaic.version = 14 : i64} {
  func.func @_mlp_fin_body(%arg0: i32, %arg1: memref<4000x16xf32, #tpu.memory_space<vmem>>, %arg2: memref<4000x16xf32, #tpu.memory_space<vmem>>, %arg3: memref<4000x16xf32, #tpu.memory_space<vmem>>, %arg4: memref<4000x16xf32, #tpu.memory_space<vmem>>, %arg5: memref<4000x16xf32, #tpu.memory_space<vmem>>, %arg6: memref<16x208xf32, #tpu.memory_space<vmem>>, %arg7: memref<16x16xf32, #tpu.memory_space<vmem>>, %arg8: memref<1x16xf32, #tpu.memory_space<vmem>>, %arg9: memref<4000x16xf32, #tpu.memory_space<vmem>>) attributes {dimension_semantics = [#tpu.dimension_semantics<arbitrary>], iteration_bounds = array<i64: 25>, scalar_prefetch = 0 : i64, scratch_operands = 0 : i64, tpu.core_type = #tpu.core_type<tc>, window_params = [{transform_indices = @transform_0, window_bounds = array<i64: 4000, 16>}, {transform_indices = @transform_1, window_bounds = array<i64: 4000, 16>}, {transform_indices = @transform_2, window_bounds = array<i64: 4000, 16>}, {transform_indices = @transform_3, window_bounds = array<i64: 4000, 16>}, {transform_indices = @transform_4, window_bounds = array<i64: 4000, 16>}, {pipeline_mode = #tpu.pipeline_mode<synchronous>, transform_indices = @transform_5, window_bounds = array<i64: 16, 208>}, {pipeline_mode = #tpu.pipeline_mode<synchronous>, transform_indices = @transform_6, window_bounds = array<i64: 16, 16>}, {pipeline_mode = #tpu.pipeline_mode<synchronous>, transform_indices = @transform_7, window_bounds = array<i64: 1, 16>}, {transform_indices = @transform_8, window_bounds = array<i64: 4000, 16>}]} {
    %get3A = arith.constant 0 : index
    %get3A_0 = arith.constant 0 : index
    %get3A_1 = vector.load %arg6[%get3A, %get3A_0] : memref<16x208xf32, #tpu.memory_space<vmem>>, vector<16x208xf32>
    %slice3A = vector.extract_strided_slice %get3A_1 {offsets = [0, 128], sizes = [16, 16], strides = [1, 1]} : vector<16x208xf32> to vector<16x16xf32>
    %get3A_2 = arith.constant 0 : index
    %get3A_3 = arith.constant 0 : index
    %get3A_4 = vector.load %arg2[%get3A_2, %get3A_3] : memref<4000x16xf32, #tpu.memory_space<vmem>>, vector<4000x16xf32>
    %get3A_5 = arith.constant 0 : index
    %get3A_6 = arith.constant 0 : index
    %get3A_7 = vector.load %arg3[%get3A_5, %get3A_6] : memref<4000x16xf32, #tpu.memory_space<vmem>>, vector<4000x16xf32>
    %add3A = arith.addf %get3A_4, %get3A_7 : vector<4000x16xf32>
    %get3A_8 = arith.constant 0 : index
    %get3A_9 = arith.constant 0 : index
    %get3A_10 = vector.load %arg4[%get3A_8, %get3A_9] : memref<4000x16xf32, #tpu.memory_space<vmem>>, vector<4000x16xf32>
    %get3A_11 = arith.constant 0 : index
    %get3A_12 = arith.constant 0 : index
    %get3A_13 = vector.load %arg5[%get3A_11, %get3A_12] : memref<4000x16xf32, #tpu.memory_space<vmem>>, vector<4000x16xf32>
    %add3A_14 = arith.addf %get3A_10, %get3A_13 : vector<4000x16xf32>
    %add3A_15 = arith.addf %add3A, %add3A_14 : vector<4000x16xf32>
    %get3A_16 = arith.constant 0 : index
    %get3A_17 = arith.constant 0 : index
    %get3A_18 = vector.load %arg1[%get3A_16, %get3A_17] : memref<4000x16xf32, #tpu.memory_space<vmem>>, vector<4000x16xf32>
    %dot_general3A = arith.constant dense<0.000000e+00> : vector<4000x16xf32>
    %dot_general3A_19 = tpu.matmul %add3A_15, %slice3A, %dot_general3A {dimension_numbers = #tpu.dot_dimension_numbers<[1], [1], [0], [0], [0, 0, 1, 0], [], []>, transpose_lhs_hint = false} : vector<4000x16xf32>, vector<16x16xf32>, vector<4000x16xf32> -> vector<4000x16xf32>
    %add3A_20 = arith.addf %get3A_18, %dot_general3A_19 : vector<4000x16xf32>
    %max3A = arith.constant 0.000000e+00 : f32
    %max3A_21 = vector.broadcast %max3A : f32 to vector<4000x16xf32>
    %max3A_22 = arith.maximumf %add3A_20, %max3A_21 : vector<4000x16xf32>
    %get3A_23 = arith.constant 0 : index
    %get3A_24 = arith.constant 0 : index
    %get3A_25 = vector.load %arg7[%get3A_23, %get3A_24] : memref<16x16xf32, #tpu.memory_space<vmem>>, vector<16x16xf32>
    %dot_general3A_26 = arith.constant dense<0.000000e+00> : vector<4000x16xf32>
    %dot_general3A_27 = tpu.matmul %max3A_22, %get3A_25, %dot_general3A_26 {dimension_numbers = #tpu.dot_dimension_numbers<[1], [1], [0], [0], [0, 0, 1, 0], [], []>, transpose_lhs_hint = false} : vector<4000x16xf32>, vector<16x16xf32>, vector<4000x16xf32> -> vector<4000x16xf32>
    %get3A_28 = arith.constant 0 : index
    %get3A_29 = arith.constant 0 : index
    %get3A_30 = vector.load %arg8[%get3A_28, %get3A_29] : memref<1x16xf32, #tpu.memory_space<vmem>>, vector<1x16xf32>
    %add3A_31 = vector.broadcast %get3A_30 : vector<1x16xf32> to vector<4000x16xf32>
    %add3A_32 = arith.addf %dot_general3A_27, %add3A_31 : vector<4000x16xf32>
    %swap3A = arith.constant 0 : index
    %swap3A_33 = arith.constant 0 : index
    %swap3A_34 = vector.load %arg9[%swap3A, %swap3A_33] : memref<4000x16xf32, #tpu.memory_space<vmem>>, vector<4000x16xf32>
    tpu.vector_store %arg9[%swap3A, %swap3A_33], %add3A_32 {strides = array<i32>} : memref<4000x16xf32, #tpu.memory_space<vmem>>, vector<4000x16xf32>,
    return
  }
  func.func @transform_0(%arg0: i32) -> (i32, i32) {
    %c0_i32 = arith.constant 0 : i32
    %c0_i32_0 = arith.constant 0 : i32
    return %arg0, %c0_i32 : i32, i32
  }
  func.func @transform_1(%arg0: i32) -> (i32, i32) {
    %c0_i32 = arith.constant 0 : i32
    %c0_i32_0 = arith.constant 0 : i32
    return %arg0, %c0_i32 : i32, i32
  }
  func.func @transform_2(%arg0: i32) -> (i32, i32) {
    %add3A = arith.constant 25 : i32
    %add3A_0 = arith.addi %arg0, %add3A : i32
    %c0_i32 = arith.constant 0 : i32
    %c0_i32_1 = arith.constant 0 : i32
    return %add3A_0, %c0_i32 : i32, i32
  }
  func.func @transform_3(%arg0: i32) -> (i32, i32) {
    %c0_i32 = arith.constant 0 : i32
    %c0_i32_0 = arith.constant 0 : i32
    return %arg0, %c0_i32 : i32, i32
  }
  func.func @transform_4(%arg0: i32) -> (i32, i32) {
    %add3A = arith.constant 25 : i32
    %add3A_0 = arith.addi %arg0, %add3A : i32
    %c0_i32 = arith.constant 0 : i32
    %c0_i32_1 = arith.constant 0 : i32
    return %add3A_0, %c0_i32 : i32, i32
  }
  func.func @transform_5(%arg0: i32) -> (i32, i32) {
    %c0_i32 = arith.constant 0 : i32
    %c0_i32_0 = arith.constant 0 : i32
    %c0_i32_1 = arith.constant 0 : i32
    return %c0_i32, %c0_i32_0 : i32, i32
  }
  func.func @transform_6(%arg0: i32) -> (i32, i32) {
    %c0_i32 = arith.constant 0 : i32
    %c0_i32_0 = arith.constant 0 : i32
    %c0_i32_1 = arith.constant 0 : i32
    return %c0_i32, %c0_i32_0 : i32, i32
  }
  func.func @transform_7(%arg0: i32) -> (i32, i32) {
    %c0_i32 = arith.constant 0 : i32
    %c0_i32_0 = arith.constant 0 : i32
    %c0_i32_1 = arith.constant 0 : i32
    return %c0_i32, %c0_i32_0 : i32, i32
  }
  func.func @transform_8(%arg0: i32) -> (i32, i32) {
    %c0_i32 = arith.constant 0 : i32
    %c0_i32_0 = arith.constant 0 : i32
    return %arg0, %c0_i32 : i32, i32
  }
}

</mosaic_0001>

<sc_bundles>
// kernel: kernel.11.cloned.1.call-start
scs
__scs_entry_jumppad:
0x0: {  	(pc) =	sbr.rel $0x88, $3  }
0x1: {  	(tag) =	ssettag $0x0;
	lr =	simm.s32 $0x1  }
0x2: {  	[smem:$0x3F98] =	sst lr;
	_ =	strace $0xD0000000  }
0x3: {  	_ = 	snop  }
0x4: {  	_ = 	snop  }
0x5: {  	_ = 	snop  }
0x6: {  	_ = 	snop  }
0x7: {  	_ = 	snop  }
__scs_overlays_trampoline_lowered:
0x8: {  	[smem:$0x3FA7] =	sst s0  }
0x9: {  	[smem:$0x3FA8] =	sst s1  }
0xa: {  	[smem:$0x3FA9] =	sst s2  }
0xb: {  	[smem:$0x3FAA] =	sst s3  }
0xc: {  	[smem:$0x3FAB] =	sst s4  }
0xd: {  	[smem:$0x3FAC] =	sst s5  }
0xe: {  	[smem:$0x3FAD] =	sst s6  }
0xf: {  	[smem:$0x3FAE] =	sst s7  }
0x10: {  	[smem:$0x3FAF] =	sst s8  }
0x11: {  	[smem:$0x3FB0] =	sst s9;
	s0 =	simm.s32 @!p0 $0x0  }
0x12: {  	s1 =	sld [smem:$0x3F96];
	s0 =	simm.s32 @p0 $0x1  }
0x13: {  	[smem:$0x3FB1] =	sst s0;
	s0 =	simm.s32 @!p1 $0x0  }
0x14: {  	s2 =	sld [smem:$0x3F95];
	s0 =	simm.s32 @p1 $0x1  }
0x15: {  	[smem:$0x3FB2] =	sst s0;
	s0 =	simm.s32 @!p2 $0x0  }
0x16: {  	s3 =	sld [smem:$0x3FDB];
	s0 =	simm.s32 @p2 $0x1  }
0x17: {  	s4 =	simm.s32 $0x1BF5;
	[smem:$0x3FB4] =	sst s0  }
0x18: {  	s0 =	sld [smem:$0x3F97];
	_ =	swait.ge [sflag:s4], $0x0  }
0x19: {  	s7 =	sld [smem:$0x3F98]  }
0x1a: {  	s8 =	sadd.s32 $0xFFFFE003, lr  }
0x1b: {  	s9 =	sadd.s32 $0xFFFFFEF7, lr;
	s5 =	simm.s32 $0xFFFFFFFF;
	p2 =	slt.u32 s8, $0xFFFFF086  }
0x1c: {  	p1 =	slt.u32 s9, $0xF7A;
	s5 =	simm.s32 @!p2 $0x0  }
0x1d: {  	s5 =	simm.s32 @p1 $0x1;
	p0 =	seq.s32 s7, s2  }
0x1e: {  	s7 =	smul.u32 @!p0 $0xF7A, s2;
	p2 =	seq.s32 @!p0 s5, $0x0  }
0x1f: {  	s9 =	smul.u32 $0xF7A, s1;
	s8 =	simm.s32 @!p0 $0x1BF5;
	p2 =	por !p2, p0  }
0x20: {  	[sflag:s8] =	ssyncset.s32 @!p0 $0xFFFFF086;
	s6 =	sadd.s32 @!p0 s3, s7;
	s7 =	simm.s32 @!p0 $0x108  }
0x21: {  	s3 =	sadd.s32 s3, s9;
	s6 =	sadd.s32 @!p0 $0x88, s6;
	s7 =	simm.s32 @p2 $0x1082  }
0x22: {  	[simem:s7], [sflag:s8] =	dma.local @!p0 [hbm:s6], $0xF7A  }
0x23: {  	s9 =	sor.u32 $0xD0000000, s2;
	s6 =	simm.s32 $0x108;
	_ =	swait.ge @!p0 [sflag:s8], $0x0  }
0x24: {  	s3 =	sadd.s32 $0x88, s3;
	s6 =	simm.s32 @!p1 $0x1082;
	[sflag:s4] =	ssyncset.s32 $0xFFFFF086  }
0x25: {  	[simem:s6], [sflag:s4] =	dma.local [hbm:s3], $0xF7A  }
0x26: {  	[smem:$0x3F98] =	sst s1;
	(tag) =	ssettag s2;
	_ =	strace s9  }
0x27: {  	s1 =	sld [smem:$0x3FA8]  }
0x28: {  	s2 =	sld [smem:$0x3FA9]  }
0x29: {  	s4 =	sld [smem:$0x3FAB]  }
0x2a: {  	p0 =	seq.s32 s5, $0x0;
	s5 =	sld [smem:$0x3FAC]  }
0x2b: {  	s6 =	sld [smem:$0x3FAD]  }
0x2c: {  	s7 =	sld [smem:$0x3FAE]  }
0x2d: {  	s3 =	simm.s32 $0x108;
	s8 =	sld [smem:$0x3FAF]  }
0x2e: {  	s3 =	simm.s32 @!p0 $0x1082;
	s9 =	sld [smem:$0x3FB0]  }
0x2f: {  	lr =	sadd.s32 s0, s3;
	s0 =	sld [smem:$0x3FA7]  }
0x30: {  	s3 =	sld [smem:$0x3FAA]  }
0x31: {  	[smem:$0x3FB3] =	sst s10  }
0x32: {  	s10 =	sld [smem:$0x3FB1];
	_ =	sdelay $0x3  }
0x33: {  	p0 =	seq.s32 s10, $0x1;
	s10 =	sld [smem:$0x3FB3];
	_ =	sdelay $0x3  }
0x34: {  	[smem:$0x3FB3] =	sst s10  }
0x35: {  	s10 =	sld [smem:$0x3FB2];
	_ =	sdelay $0x3  }
0x36: {  	p1 =	seq.s32 s10, $0x1;
	s10 =	sld [smem:$0x3FB3];
	_ =	sdelay $0x3  }
0x37: {  	[smem:$0x3FB3] =	sst s10  }
0x38: {  	s10 =	sld [smem:$0x3FB4]  }
0x39: {  	_ = 	snop;
	(pc) =	sbr.ind lr, $3  }
0x3a: {  	_ = 	snop  }
0x3b: {  	_ = 	snop  }
0x3c: {  	p2 =	seq.s32 s10, $0x1;
	s10 =	sld [smem:$0x3FB3]  }
0x3d: {  	_ =	shalt  }
0x3e: {  	_ =	shalt  }
0x3f: {  	_ =	shalt  }
0x40: {  	_ =	shalt  }
0x41: {  	_ =	shalt  }
0x42: {  	_ =	shalt  }
0x43: {  	_ =	shalt  }
0x44: {  	_ =	shalt  }
0x45: {  	_ =	shalt  }
0x46: {  	_ =	shalt  }
0x47: {  	_ =	shalt  }
0x48: {  	_ =	shalt  }
0x49: {  	_ =	shalt  }
0x4a: {  	_ =	shalt  }
0x4b: {  	_ =	shalt  }
0x4c: {  	_ =	shalt  }
0x4d: {  	_ =	shalt  }
0x4e: {  	_ =	shalt  }
0x4f: {  	_ =	shalt  }
0x50: {  	_ =	shalt  }
0x51: {  	_ =	shalt  }
0x52: {  	_ =	shalt  }
0x53: {  	_ =	shalt  }
0x54: {  	_ =	shalt  }
0x55: {  	_ =	shalt  }
0x56: {  	_ =	shalt  }
0x57: {  	_ =	shalt  }
0x58: {  	_ =	shalt  }
0x59: {  	_ =	shalt  }
0x5a: {  	_ =	shalt  }
0x5b: {  	_ =	shalt  }
0x5c: {  	_ =	shalt  }
0x5d: {  	_ =	shalt  }
0x5e: {  	_ =	shalt  }
0x5f: {  	_ =	shalt  }
0x60: {  	_ =	shalt  }
0x61: {  	_ =	shalt  }
0x62: {  	_ =	shalt  }
0x63: {  	_ =	shalt  }
0x64: {  	_ =	shalt  }
0x65: {  	_ =	shalt  }
0x66: {  	_ =	shalt  }
0x67: {  	_ =	shalt  }
0x68: {  	_ =	shalt  }
0x69: {  	_ =	shalt  }
0x6a: {  	_ =	shalt  }
0x6b: {  	_ =	shalt  }
0x6c: {  	_ =	shalt  }
0x6d: {  	_ =	shalt  }
0x6e: {  	_ =	shalt  }
0x6f: {  	_ =	shalt  }
0x70: {  	_ =	shalt  }
0x71: {  	_ =	shalt  }
0x72: {  	_ =	shalt  }
0x73: {  	_ =	shalt  }
0x74: {  	_ =	shalt  }
0x75: {  	_ =	shalt  }
0x76: {  	_ =	shalt  }
0x77: {  	_ =	shalt  }
0x78: {  	_ =	shalt  }
0x79: {  	_ =	shalt  }
0x7a: {  	_ =	shalt  }
0x7b: {  	_ =	shalt  }
0x7c: {  	_ =	shalt  }
0x7d: {  	_ =	shalt  }
0x7e: {  	_ =	shalt  }
0x7f: {  	_ =	shalt  }
0x80: {  	_ =	shalt  }
0x81: {  	_ =	shalt  }
0x82: {  	_ =	shalt  }
0x83: {  	_ =	shalt  }
0x84: {  	_ =	shalt  }
0x85: {  	_ =	shalt  }
0x86: {  	_ =	shalt  }
0x87: {  	_ =	shalt  }
.Lfunc_end0:
.L_simem_size_0:
called_computation.1_lowered:
.L_overlay_start_0:
0x88: {  	s2 =	sld [smem:$0x3FD9]  }
0x89: {  	s3 =	sld [smem:$0x3FFE];
	_ =	sdelay $0x1  }
0x8a: {  	s1 =	srdreg.scid  }
0x8b: {  	s0 =	sand.u32 $0x1, s1  }
0x8c: {  	s17 =	sshll.u32 s0, $0xA;
	s2 =	sadd.s32 s3, s2  }
0x8d: {  	s2 =	sadd.s32 s2, s17  }
0x8e: {  	[smem:$0x3FBF] =	sst s2  }
0x8f: {  	_ = 	snop  }
0x90: {  	s18 =	sld [smem:$0x3FD0];
	(tm) =	ssettm $0x1  }
0x91: {  	s19 =	sld [smem:$0x3FFB];
	_ =	sdelay $0x3  }
0x92: {  	_ =	strace s19  }
0x93: {  	s2 =	sld [smem:$0x3FFC];
	_ =	sdelay $0x3  }
0x94: {  	_ =	strace s2  }
0x95: {  	s2 =	sld [smem:$0x3FFD];
	_ =	sdelay $0x3  }
0x96: {  	_ =	strace s2  }
0x97: {  	_ =	strace $0x8FFFFFFF  }
0x98: {  	s20 =	sld [smem:$0x3FDB];
	_ =	sdelay $0x1  }
0x99: {  	s4 =	simm.s32 $_scs_section_size  }
0x9a: {  	s5 =	simm.s32 $_size__tile_overlayer_lowered;
	s6 =	simm.s32 $_tile_overlayer_lowered  }
0x9b: {  	s7 =	simm.s32 $0x1BFF;
	s21 =	sshll.u32 s6, $0x1;
	s4 =	sadd.s32 s4, s20  }
0x9c: {  	s22 =	simm.s32 $0x0;
	s5 =	sshll.u32 s5, $0x1;
	s6 =	sadd.s32 s21, s4  }
0x9d: {  	[timem:s22], [sflag:s7] =	dma.local [hbm:s6], s5  }
0x9e: {  	_ =	swait.ge [sflag:s7], s5  }
0x9f: {  	s5 =	ssub.s32 $0x0, s5;
	[sflag:s7] =	ssyncset.done $0x0  }
0xa0: {  	[sflag:s7] =	ssyncadd.s32 s5;
	_ =	sdelay $0x1  }
0xa1: {  	s23 =	simm.s32 $0x1B8B  }
0xa2: {  	_ =	swait.ge [sflag:s23], $0x1  }
0xa3: {  	[sflag:s23] =	ssyncset.done $0x0  }
0xa4: {  	[sflag:s23] =	ssyncadd.s32 $0xFFFFFFFF  }
0xa5: {  	s5 =	sld [smem:$0x0]  }
0xa6: {  	s6 =	sand.u32 $0xFFFFFFFE, s1  }
0xa7: {  	p0 =	sne.s32 s1, s6  }
0xa8: {  	s6 =	sshll.u32 @p0 s6, $0xE  }
0xa9: {  	s6 =	sadd.s32 @p0 $0x11B8D, s6;
	s7 =	sshll.u32 @p0 s5, $0x11  }
0xaa: {  	s6 =	sor.u32 @p0 s7, s6  }
0xab: {  	[sflag:s6] =	ssyncadd.remote.s32 @p0 $0x1;
	_ =	sdelay $0x1  }
0xac: {  	s6 =	simm.s32 @p0 $0x1B8D  }
0xad: {  	_ =	swait.eq @p0 [sflag:s6], $0x1  }
0xae: {  	[sflag:s6] =	ssyncadd.s32 @p0 $0xFFFFFFFF  }
0xaf: {  	s7 =	sshll.u32 @!p0 s1, $0xE  }
0xb0: {  	s7 =	sor.u32 @!p0 $0x4000, s7;
	s6 =	simm.s32 @!p0 $0x1B8D  }
0xb1: {  	s5 =	sshll.u32 @!p0 s5, $0x11;
	s7 =	sadd.s32 @!p0 $0x11B8D, s7;
	_ =	swait.eq @!p0 [sflag:s6], $0x1  }
0xb2: {  	s5 =	sor.u32 @!p0 s5, s7;
	[sflag:s6] =	ssyncadd.s32 @!p0 $0xFFFFFFFF  }
0xb3: {  	s25 =	simm.s32 $0x1B8E;
	s24 =	sld [smem:$0x3FFE];
	[sflag:s5] =	ssyncadd.remote.s32 @!p0 $0x1  }
0xb4: {  	s26 =	simm.s32 $execute0_lowered;
	[smem:$0x3FD2] =	sst s25  }
0xb5: {  	s6 =	sshll.u32 s26, $0x1;
	_ =	strace $0x80000049;
	[dreg:$0x1] =	wrdreg $0xFFFFFFFF  }
0xb6: {  	s28 =	simm.s32 $_size_execute0_lowered;
	s4 =	sadd.s32 s4, s6;
	[dreg:$0x0] =	wrdreg $0x0  }
0xb7: {  	s6 =	sshll.u32 s28, $0x1;
	[dreg:$0x2] =	wrdreg s4  }
0xb8: {  	[dreg:$0x3] =	wrdreg s6  }
0xb9: {  	[dreg:$0x4] =	wrdreg $0xC0  }
0xba: {  	_ =	task [dreg:s22], $0x5FFFF  }
0xbb: {  	[dreg:$0x1] =	wrdreg $0xFFFFFFFF  }
0xbc: {  	[dreg:$0x0] =	wrdreg $0x60  }
0xbd: {  	[dreg:$0x2] =	wrdreg s24  }
0xbe: {  	[dreg:$0x3] =	wrdreg s18  }
0xbf: {  	[dreg:$0x4] =	wrdreg $0x44000  }
0xc0: {  	[dreg:$0x5] =	wrdreg $0xA  }
0xc1: {  	_ =	task.clear_ibuf [dreg:s22], $0x6FFFF;
	_ =	strace $0x90000049  }
0xc2: {  	s29 =	simm.s32 $0xA;
	_ =	strace $0x8000004B  }
0xc3: {  	_ =	swait.ge [sflag:s29], $0x1  }
0xc4: {  	[sflag:s29] =	ssyncadd.s32 $0xFFFFFFFF  }
0xc5: {  	_ =	strace $0x9000004B  }
0xc6: {  	_ =	sfence  }
0xc7: {  	s30 =	sld [smem:$0x0];
	_ =	sdelay $0x2  }
0xc8: {  	s31 =	sshll.u32 s1, $0xD;
	s1 =	sshrl.u32 s1, $0x2  }
0xc9: {  	s4 =	sand.u32 $0x4000, s31;
	s1 =	sadd.s32 s1, s30  }
0xca: {  	s0 =	sor.u32 s4, s0;
	s1 =	sshll.u32 s1, $0x11  }
0xcb: {  	s0 =	sor.u32 s1, s0  }
0xcc: {  	s0 =	sadd.s32 $0x8F2B, s0  }
0xcd: {  	[sflag:s0] =	ssyncadd.remote.s32 $0x1  }
0xce: {  	_ =	sfence.sel $0xFFFF  }
0xcf: {  	[dreg:$0x0] =	wrdreg $0xFFFFFFFF;
	(pc) =	sbr.abs _section_cstart, $3  }
0xd0: {  	[dreg:$0x1] =	wrdreg $0xFFFFFFFF  }
0xd1: {  	_ =	task.clear_ibuf [dreg:s22], $0x2FFFF;
	_ =	strace $0x9FFFFFFF  }
0xd2: {  	(tm) =	ssettm $0x7FFFFFFF  }
0xd3: {  	_ =	shalt  }
tec
execute0_lowered:
.L_overlay_start_1:
0x0: {  	(tag) =	ssettag $0x1  }
0x1: {  	s4 =	rddreg [dreg:$0x0]  }
0x2: {  	s5 =	rddreg [dreg:$0x1]  }
0x3: {  	s2 =	rddreg [dreg:$0x2]  }
0x4: {  	s0 =	rddreg [dreg:$0x3];
	s3 =	simm.s32 $0x0;
	s1 =	stileid.u32  }
0x5: {  	s6 =	srdreg.scid;
	[smem:$0x7FF] =	sst s3  }
0x6: {  	s7 =	sshll.u32 s1, $0x8;
	s11 =	sand.u32 $0x1, s6;
	s10 =	smul.u32 $0x18700, s1  }
0x7: {  	s22 =	sshll.u32 s1, $0xC;
	s12 =	sadd.s32 $0x6DF400, s4;
	s24 =	smul.u32 $0x30E0, s1  }
0x8: {  	s13 =	sshll.u32 s1, $0x1;
	s16 =	sadd.s32 $0x16E900, s2;
	s28 =	smul.u32 $0x61C00, s1  }
0x9: {  	p0 =	seq.s32 s1, $0xF;
	_ =	strace $0x8000004A;
	s7 =	sadd.s32 s7, s4  }
0xa: {  	s8 =	ssub.s32 $0x2, s11;
	s9 =	sadd.s32 s22, s4;
	s14 =	smul.u32 $0x30D40, s11  }
0xb: {  	s26 =	smul.u32 $0x186A00, s11;
	s29 =	sshll.u32 s11, $0x7;
	s30 =	sshll.u32 s11, $0xB  }
0xc: {  	s11 =	sor.u32 s11, s13;
	s13 =	sshll.u32 @!p0 s1, $0x6;
	s23 =	sshrl.u32 s8, $0x1  }
0xd: {  	s25 =	sshrl.u32 s10, $0x3;
	s15 =	sadd.s32 s10, s2;
	s31 =	sadd.s32 s30, s9  }
0xe: {  	s13 =	sor.u32 @!p0 $0x1C01, s13;
	s8 =	ssub.s32 s8, s23;
	s4 =	sadd.s32 s5, s25  }
0xf: {  	s6 =	sadd.s32 s24, s14;
	s5 =	sadd.s32 $0x2DD20, s5;
	s10 =	sshrl.u32 s26, $0x3  }
0x10: {  	s14 =	sshrl.u32 s28, $0x2;
	s6 =	sadd.s32 s12, s6;
	s10 =	sadd.s32 s12, s10  }
0x11: {  	s17 =	sadd.s32 s14, s2;
	s12 =	sadd.s32 s29, s7;
	s8 =	smax.u32 s8, $0x1  }
0x12: {  	s14 =	sshrl.u32 @!p0 s15, $0x3;
	s7 =	sadd.s32 $0x2DD20, s10;
	s9 =	sadd.s32 $0x6C2000, s12  }
0x13: {  	s10 =	sadd.s32 $0x4EE800, s31;
	s12 =	sshrl.u32 @p0 s16, $0x3;
	s15 =	sshrl.u32 @!p0 s17, $0x3  }
.LBB2_1:
0x14: {  	s16 =	simm.s32 @p0 $0x1FC1  }
0x15: {  	[spmem:s12], [sflag:s16] =	dma.local @p0 [hbm:s5], $0x3020  }
0x16: {  	s16 =	simm.s32 @p0 $0x1  }
0x17: {  	_ =	swait.ge @p0 [sflag:s16], $0x3020  }
0x18: {  	[sflag:s16] =	ssyncset.done @p0 $0x0  }
0x19: {  	[sflag:s16] =	ssyncadd.s32 @p0 $0xFFFFCFE0;
	s16 =	simm.s32 @!p0 $0x1  }
0x1a: {  	[spmem:s14], [sflag:s13] =	dma.local @!p0 [hbm:s4], $0x30E0  }
0x1b: {  	_ =	swait.ge @!p0 [sflag:s16], $0x30E0  }
0x1c: {  	s17 =	sadd.s32 $0x0, s11;
	[sflag:s16] =	ssyncset.done @!p0 $0x0  }
0x1d: {  	p1 =	sgt.u32 s17, $0x3A6;
	[sflag:s16] =	ssyncadd.s32 @!p0 $0xFFFFCF20  }
0x1e: {  	s18 =	simm.s32 @!p1 $0x2;
	s16 =	simm.s32 @!p1 $0x0;
	[bflag:$0x0] =	sbarrier.arrive $0xFFFF  }
0x1f: {  	[tilespmem:s16], [sflag:$0x2] =	stream.linear.gather @!p1 [hbm4b:s9+s16], $0x400, $0x38;
	[tilespmem:$0x1CAA0] =	vst v63  }
0x20: {  	_ =	swait.ge @!p1 [sflag:s18], $0x400  }
0x21: {  	[sflag:s18] =	ssyncset.done @!p1 $0x0;
	p1 =	por p1, p1  }
0x22: {  	[sflag:s18] =	ssyncadd.s32 @!p1 $0xFFFFFC00;
	s17 =	simm.s32 @!p1 $0x400  }
0x23: {  	[tilespmem:s17], [sflag:$0x2] =	stream.linear.gather @!p1 [hbm4b:s10+s16], $0x4000, $0x38;
	[tilespmem:$0x1CAA0] =	vst v63  }
0x24: {  	_ =	swait.ge @!p1 [sflag:s18], $0x4000  }
0x25: {  	[sflag:s18] =	ssyncset.done @!p1 $0x0  }
0x26: {  	s19 =	simm.s32 @!p1 $0x80;
	[sflag:s18] =	ssyncadd.s32 @!p1 $0xFFFFC000  }
0x27: {  	[spmem:s2] =	stream.indirect.scatter.add.f32 @!p1 [tilespmem:s17], [sflag:$0x2], $0x10, s16, s19, $0xb8;
	[tilespmem:$0x1CAA0] =	vst v63  }
0x28: {  	_ =	swait.ge @!p1 [sflag:s18], $0x800  }
0x29: {  	[sflag:s18] =	ssyncset.done @!p1 $0x0  }
0x2a: {  	s16 =	simm.s32 @!p1 $0xC00;
	[sflag:s18] =	ssyncadd.s32 @!p1 $0xFFFFF800  }
0x2b: {  	[spmem:s2] =	stream.indirect.scatter.add.f32 @!p1 [tilespmem:s16], [sflag:$0x2], $0x10, s19, s19, $0xb8;
	[tilespmem:$0x1CAA0] =	vst v63  }
0x2c: {  	_ =	swait.ge @!p1 [sflag:s18], $0x800  }
0x2d: {  	[sflag:s18] =	ssyncset.done @!p1 $0x0  }
0x2e: {  	s17 =	simm.s32 @!p1 $0x1400;
	s16 =	simm.s32 @!p1 $0x100;
	[sflag:s18] =	ssyncadd.s32 @!p1 $0xFFFFF800  }
0x2f: {  	[spmem:s2] =	stream.indirect.scatter.add.f32 @!p1 [tilespmem:s17], [sflag:$0x2], $0x10, s16, s19, $0xb8;
	[tilespmem:$0x1CAA0] =	vst v63  }
0x30: {  	_ =	swait.ge @!p1 [sflag:s18], $0x800  }
0x31: {  	[sflag:s18] =	ssyncset.done @!p1 $0x0  }
0x32: {  	s16 =	simm.s32 @!p1 $0x180;
	s17 =	simm.s32 @!p1 $0x1C00;
	[sflag:s18] =	ssyncadd.s32 @!p1 $0xFFFFF800  }
0x33: {  	[spmem:s2] =	stream.indirect.scatter.add.f32 @!p1 [tilespmem:s17], [sflag:$0x2], $0x10, s16, s19, $0xb8;
	[tilespmem:$0x1CAA0] =	vst v63  }
0x34: {  	_ =	swait.ge @!p1 [sflag:s18], $0x800  }
0x35: {  	[sflag:s18] =	ssyncset.done @!p1 $0x0  }
0x36: {  	s16 =	simm.s32 @!p1 $0x200;
	s17 =	simm.s32 @!p1 $0x2400;
	[sflag:s18] =	ssyncadd.s32 @!p1 $0xFFFFF800  }
0x37: {  	[spmem:s2] =	stream.indirect.scatter.add.f32 @!p1 [tilespmem:s17], [sflag:$0x2], $0x10, s16, s19, $0xb8;
	[tilespmem:$0x1CAA0] =	vst v63  }
0x38: {  	_ =	swait.ge @!p1 [sflag:s18], $0x800  }
0x39: {  	[sflag:s18] =	ssyncset.done @!p1 $0x0  }
0x3a: {  	s16 =	simm.s32 @!p1 $0x280;
	s17 =	simm.s32 @!p1 $0x2C00;
	[sflag:s18] =	ssyncadd.s32 @!p1 $0xFFFFF800  }
0x3b: {  	[spmem:s2] =	stream.indirect.scatter.add.f32 @!p1 [tilespmem:s17], [sflag:$0x2], $0x10, s16, s19, $0xb8;
	[tilespmem:$0x1CAA0] =	vst v63  }
0x3c: {  	_ =	swait.ge @!p1 [sflag:s18], $0x800  }
0x3d: {  	[sflag:s18] =	ssyncset.done @!p1 $0x0  }
0x3e: {  	s16 =	simm.s32 @!p1 $0x300;
	s17 =	simm.s32 @!p1 $0x3400;
	[sflag:s18] =	ssyncadd.s32 @!p1 $0xFFFFF800  }
0x3f: {  	[spmem:s2] =	stream.indirect.scatter.add.f32 @!p1 [tilespmem:s17], [sflag:$0x2], $0x10, s16, s19, $0xb8;
	[tilespmem:$0x1CAA0] =	vst v63  }
0x40: {  	_ =	swait.ge @!p1 [sflag:s18], $0x800  }
0x41: {  	s31 =	sadd.s32 $0x20, s11;
	s22 =	simm.s32 @!p1 $0x1;
	[sflag:s18] =	ssyncset.done @!p1 $0x0  }
0x42: {  	s16 =	simm.s32 @!p1 $0x380;
	[sflag:s18] =	ssyncadd.s32 @!p1 $0xFFFFF800;
	s18 =	simm.s32 @!p1 $0x3C00  }
0x43: {  	[spmem:s2] =	stream.indirect.scatter.add.f32 @!p1 [tilespmem:s18], [sflag:$0x1], $0x10, s16, s19, $0xb8;
	[tilespmem:$0x1CAA0] =	vst v63  }
0x44: {  	p3 =	sgt.u32 s31, $0x3A6;
	s17 =	simm.s32 $0x40;
	_ =	swait.ge @!p1 [sflag:s22], $0x800  }
0x45: {  	s16 =	sadd.s32 $0x10000, s10;
	s18 =	sadd.s32 $0x1000, s9;
	[sflag:s22] =	ssyncset.done @!p1 $0x0  }
.LBB2_2:
0x46: {  	s23 =	simm.s32 @!p3 $0x0;
	s20 =	simm.s32 @!p3 $0x2;
	[sflag:s22] =	ssyncadd.s32 @!p1 $0xFFFFF800  }
0x47: {  	[tilespmem:s23], [sflag:$0x2] =	stream.linear.gather @!p3 [hbm4b:s18+s23], $0x400, $0x38;
	[tilespmem:$0x1CAA0] =	vst v63  }
0x48: {  	s19 =	smov.u32 s17;
	s17 =	sadd.s32 $0x20, s17;
	_ =	swait.ge @!p3 [sflag:s20], $0x400  }
0x49: {  	p1 =	por p3, p3;
	p2 =	sne.s32 s17, $0x3C0;
	[sflag:s20] =	ssyncset.done @!p3 $0x0  }
0x4a: {  	s22 =	simm.s32 @!p1 $0x400;
	[sflag:s20] =	ssyncadd.s32 @!p1 $0xFFFFFC00  }
0x4b: {  	[tilespmem:s22], [sflag:$0x2] =	stream.linear.gather @!p1 [hbm4b:s16+s23], $0x4000, $0x38;
	[tilespmem:$0x1CAA0] =	vst v63  }
0x4c: {  	_ =	swait.ge @!p1 [sflag:s20], $0x4000  }
0x4d: {  	[sflag:s20] =	ssyncset.done @!p1 $0x0  }
0x4e: {  	s21 =	simm.s32 @!p1 $0x80;
	[sflag:s20] =	ssyncadd.s32 @!p1 $0xFFFFC000  }
0x4f: {  	[spmem:s2] =	stream.indirect.scatter.add.f32 @!p1 [tilespmem:s22], [sflag:$0x2], $0x10, s23, s21, $0xb8;
	[tilespmem:$0x1CAA0] =	vst v63  }
0x50: {  	_ =	swait.ge @!p1 [sflag:s20], $0x800  }
0x51: {  	[sflag:s20] =	ssyncset.done @!p1 $0x0  }
0x52: {  	s22 =	simm.s32 @!p1 $0xC00;
	[sflag:s20] =	ssyncadd.s32 @!p1 $0xFFFFF800  }
0x53: {  	[spmem:s2] =	stream.indirect.scatter.add.f32 @!p1 [tilespmem:s22], [sflag:$0x2], $0x10, s21, s21, $0xb8;
	[tilespmem:$0x1CAA0] =	vst v63  }
0x54: {  	_ =	swait.ge @!p1 [sflag:s20], $0x800  }
0x55: {  	[sflag:s20] =	ssyncset.done @!p1 $0x0  }
0x56: {  	s23 =	simm.s32 @!p1 $0x1400;
	s22 =	simm.s32 @!p1 $0x100;
	[sflag:s20] =	ssyncadd.s32 @!p1 $0xFFFFF800  }
0x57: {  	[spmem:s2] =	stream.indirect.scatter.add.f32 @!p1 [tilespmem:s23], [sflag:$0x2], $0x10, s22, s21, $0xb8;
	[tilespmem:$0x1CAA0] =	vst v63  }
0x58: {  	_ =	swait.ge @!p1 [sflag:s20], $0x800  }
0x59: {  	[sflag:s20] =	ssyncset.done @!p1 $0x0  }
0x5a: {  	s22 =	simm.s32 @!p1 $0x180;
	s23 =	simm.s32 @!p1 $0x1C00;
	[sflag:s20] =	ssyncadd.s32 @!p1 $0xFFFFF800  }
0x5b: {  	[spmem:s2] =	stream.indirect.scatter.add.f32 @!p1 [tilespmem:s23], [sflag:$0x2], $0x10, s22, s21, $0xb8;
	[tilespmem:$0x1CAA0] =	vst v63  }
0x5c: {  	_ =	swait.ge @!p1 [sflag:s20], $0x800  }
0x5d: {  	[sflag:s20] =	ssyncset.done @!p1 $0x0  }
0x5e: {  	s22 =	simm.s32 @!p1 $0x200;
	s23 =	simm.s32 @!p1 $0x2400;
	[sflag:s20] =	ssyncadd.s32 @!p1 $0xFFFFF800  }
0x5f: {  	[spmem:s2] =	stream.indirect.scatter.add.f32 @!p1 [tilespmem:s23], [sflag:$0x2], $0x10, s22, s21, $0xb8;
	[tilespmem:$0x1CAA0] =	vst v63  }
0x60: {  	_ =	swait.ge @!p1 [sflag:s20], $0x800  }
0x61: {  	[sflag:s20] =	ssyncset.done @!p1 $0x0  }
0x62: {  	s22 =	simm.s32 @!p1 $0x280;
	s23 =	simm.s32 @!p1 $0x2C00;
	[sflag:s20] =	ssyncadd.s32 @!p1 $0xFFFFF800  }
0x63: {  	[spmem:s2] =	stream.indirect.scatter.add.f32 @!p1 [tilespmem:s23], [sflag:$0x2], $0x10, s22, s21, $0xb8;
	[tilespmem:$0x1CAA0] =	vst v63  }
0x64: {  	_ =	swait.ge @!p1 [sflag:s20], $0x800  }
0x65: {  	[sflag:s20] =	ssyncset.done @!p1 $0x0  }
0x66: {  	s22 =	simm.s32 @!p1 $0x300;
	s23 =	simm.s32 @!p1 $0x3400;
	[sflag:s20] =	ssyncadd.s32 @!p1 $0xFFFFF800  }
0x67: {  	[spmem:s2] =	stream.indirect.scatter.add.f32 @!p1 [tilespmem:s23], [sflag:$0x2], $0x10, s22, s21, $0xb8;
	[tilespmem:$0x1CAA0] =	vst v63  }
0x68: {  	_ =	swait.ge @!p1 [sflag:s20], $0x800  }
.Ltmp0:
0x69: {  	s22 =	simm.s32 @!p1 $0x1;
	[sflag:s20] =	ssyncset.done @!p1 $0x0;
	(pc) =	sbr.rel @p2 .LBB2_2-.Ltmp0, $4  }
0x6a: {  	s23 =	simm.s32 @!p1 $0x3C00;
	[sflag:s20] =	ssyncadd.s32 @!p1 $0xFFFFF800;
	s20 =	simm.s32 @!p1 $0x380  }
0x6b: {  	[spmem:s2] =	stream.indirect.scatter.add.f32 @!p1 [tilespmem:s23], [sflag:$0x1], $0x10, s20, s21, $0xb8;
	[tilespmem:$0x1CAA0] =	vst v63  }
0x6c: {  	s19 =	sadd.s32 s19, s11;
	s16 =	sadd.s32 $0x10000, s16;
	_ =	swait.ge @!p1 [sflag:s22], $0x800  }
0x6d: {  	s18 =	sadd.s32 $0x1000, s18;
	p3 =	sgt.u32 s19, $0x3A6;
	[sflag:s22] =	ssyncset.done @!p1 $0x0  }
0x6e: {  	s17 =	simm.s32 @!p3 $0x0;
	s19 =	simm.s32 @!p3 $0x2;
	[sflag:s22] =	ssyncadd.s32 @!p1 $0xFFFFF800  }
0x6f: {  	[tilespmem:s17], [sflag:$0x2] =	stream.linear.gather @!p3 [hbm4b:s18+s17], $0x400, $0x38;
	[tilespmem:$0x1CAA0] =	vst v63  }
0x70: {  	_ =	swait.ge @!p3 [sflag:s19], $0x400  }
0x71: {  	p1 =	por p3, p3;
	[sflag:s19] =	ssyncset.done @!p3 $0x0  }
0x72: {  	s18 =	simm.s32 @!p1 $0x400;
	[sflag:s19] =	ssyncadd.s32 @!p1 $0xFFFFFC00  }
0x73: {  	[tilespmem:s18], [sflag:$0x2] =	stream.linear.gather @!p1 [hbm4b:s16+s17], $0x4000, $0x38;
	[tilespmem:$0x1CAA0] =	vst v63  }
0x74: {  	_ =	swait.ge @!p1 [sflag:s19], $0x4000  }
0x75: {  	[sflag:s19] =	ssyncset.done @!p1 $0x0  }
0x76: {  	s16 =	simm.s32 @!p1 $0x80;
	[sflag:s19] =	ssyncadd.s32 @!p1 $0xFFFFC000  }
0x77: {  	[spmem:s2] =	stream.indirect.scatter.add.f32 @!p1 [tilespmem:s18], [sflag:$0x2], $0x10, s17, s16, $0xb8;
	[tilespmem:$0x1CAA0] =	vst v63  }
0x78: {  	_ =	swait.ge @!p1 [sflag:s19], $0x800  }
0x79: {  	[sflag:s19] =	ssyncset.done @!p1 $0x0  }
0x7a: {  	s17 =	simm.s32 @!p1 $0xC00;
	[sflag:s19] =	ssyncadd.s32 @!p1 $0xFFFFF800  }
0x7b: {  	[spmem:s2] =	stream.indirect.scatter.add.f32 @!p1 [tilespmem:s17], [sflag:$0x2], $0x10, s16, s16, $0xb8;
	[tilespmem:$0x1CAA0] =	vst v63  }
0x7c: {  	_ =	swait.ge @!p1 [sflag:s19], $0x800  }
0x7d: {  	[sflag:s19] =	ssyncset.done @!p1 $0x0  }
0x7e: {  	s18 =	simm.s32 @!p1 $0x1400;
	s17 =	simm.s32 @!p1 $0x100;
	[sflag:s19] =	ssyncadd.s32 @!p1 $0xFFFFF800  }
0x7f: {  	[spmem:s2] =	stream.indirect.scatter.add.f32 @!p1 [tilespmem:s18], [sflag:$0x2], $0x10, s17, s16, $0xb8;
	[tilespmem:$0x1CAA0] =	vst v63  }
0x80: {  	_ =	swait.ge @!p1 [sflag:s19], $0x800  }
0x81: {  	[sflag:s19] =	ssyncset.done @!p1 $0x0  }
0x82: {  	s17 =	simm.s32 @!p1 $0x180;
	s18 =	simm.s32 @!p1 $0x1C00;
	[sflag:s19] =	ssyncadd.s32 @!p1 $0xFFFFF800  }
0x83: {  	[spmem:s2] =	stream.indirect.scatter.add.f32 @!p1 [tilespmem:s18], [sflag:$0x2], $0x10, s17, s16, $0xb8;
	[tilespmem:$0x1CAA0] =	vst v63  }
0x84: {  	_ =	swait.ge @!p1 [sflag:s19], $0x800  }
0x85: {  	[sflag:s19] =	ssyncset.done @!p1 $0x0  }
0x86: {  	s17 =	simm.s32 @!p1 $0x200;
	s18 =	simm.s32 @!p1 $0x2400;
	[sflag:s19] =	ssyncadd.s32 @!p1 $0xFFFFF800  }
0x87: {  	[spmem:s2] =	stream.indirect.scatter.add.f32 @!p1 [tilespmem:s18], [sflag:$0x2], $0x10, s17, s16, $0xb8;
	[tilespmem:$0x1CAA0] =	vst v63  }
0x88: {  	_ =	swait.ge @!p1 [sflag:s19], $0x800  }
0x89: {  	[sflag:s19] =	ssyncset.done @!p1 $0x0  }
0x8a: {  	s17 =	simm.s32 @!p1 $0x280;
	s18 =	simm.s32 @!p1 $0x2C00;
	[sflag:s19] =	ssyncadd.s32 @!p1 $0xFFFFF800  }
0x8b: {  	[spmem:s2] =	stream.indirect.scatter.add.f32 @!p1 [tilespmem:s18], [sflag:$0x2], $0x10, s17, s16, $0xb8;
	[tilespmem:$0x1CAA0] =	vst v63  }
0x8c: {  	_ =	swait.ge @!p1 [sflag:s19], $0x800  }
0x8d: {  	[sflag:s19] =	ssyncset.done @!p1 $0x0  }
0x8e: {  	s17 =	simm.s32 @!p1 $0x300;
	s18 =	simm.s32 @!p1 $0x3400;
	[sflag:s19] =	ssyncadd.s32 @!p1 $0xFFFFF800  }
0x8f: {  	[spmem:s2] =	stream.indirect.scatter.add.f32 @!p1 [tilespmem:s18], [sflag:$0x2], $0x10, s17, s16, $0xb8;
	[tilespmem:$0x1CAA0] =	vst v63  }
0x90: {  	_ =	swait.ge @!p1 [sflag:s19], $0x800  }
0x91: {  	s17 =	simm.s32 @!p1 $0x1;
	[sflag:s19] =	ssyncset.done @!p1 $0x0  }
0x92: {  	s18 =	simm.s32 @!p1 $0x380;
	[sflag:s19] =	ssyncadd.s32 @!p1 $0xFFFFF800;
	s19 =	simm.s32 @!p1 $0x3C00  }
0x93: {  	[spmem:s2] =	stream.indirect.scatter.add.f32 @!p1 [tilespmem:s19], [sflag:$0x1], $0x10, s18, s16, $0xb8;
	[tilespmem:$0x1CAA0] =	vst v63  }
0x94: {  	_ =	swait.ge @!p1 [sflag:s17], $0x800  }
0x95: {  	[sflag:s17] =	ssyncset.done @!p1 $0x0  }
0x96: {  	[sflag:s17] =	ssyncadd.s32 @!p1 $0xFFFFF800  }
0x97: {  	s16 =	simm.s32 @p0 $0x1FC1;
	[bflag:$0x0] =	sbarrier.arrive $0xFFFF  }
0x98: {  	[hbm:s7], [sflag:s16] =	dma.local @p0 [spmem:s12], $0x3020  }
0x99: {  	s16 =	simm.s32 @p0 $0x1  }
0x9a: {  	s3 =	sadd.s32 $0x1, s3;
	_ =	swait.ge @p0 [sflag:s16], $0x3020  }
0x9b: {  	p1 =	sne.s32 s3, s8;
	[sflag:s16] =	ssyncset.done @p0 $0x0  }
.Ltmp1:
0x9c: {  	[sflag:s16] =	ssyncadd.s32 @p0 $0xFFFFCFE0;
	s16 =	simm.s32 @!p0 $0x1;
	(pc) =	sbr.rel @p1 .LBB2_1-.Ltmp1, $4  }
0x9d: {  	[hbm:s6], [sflag:s13] =	dma.local @!p0 [spmem:s15], $0x30E0  }
0x9e: {  	_ =	swait.ge @!p0 [sflag:s16], $0x30E0  }
0x9f: {  	[sflag:s16] =	ssyncset.done @!p0 $0x0  }
0xa0: {  	[sflag:s16] =	ssyncadd.s32 @!p0 $0xFFFFCF20  }
0xa1: {  	_ =	sfence.sel $0x180000  }
0xa2: {  	[bflag:$0x0] =	sbarrier.arrive $0xFFFF  }
0xa3: {  	p0 =	sne.s32 s1, $0x0;
	_ =	strace $0x9000004A  }
0xa4: {  	s0 =	sadd.s32 @!p0 $0x100000, s0;
	[bflag:$0x2] =	sbarrier.arrive $0xFFFF  }
0xa5: {  	[sflag:s0] =	ssyncadd.tile.s32 @!p0 $0x1;
	_ =	shalt  }
.Lfunc_end2:
_tile_overlayer_lowered:
.L_overlay_start_2:
0xa6: {  	(tag) =	ssettag $0x2  }
0xa7: {  	s0 =	rddreg [dreg:$0x0];
	s2 =	stileid.u32  }
0xa8: {  	s1 =	rddreg [dreg:$0x1];
	p0 =	sne.s32 s2, $0x0  }
0xa9: {  	s3 =	rddreg [dreg:$0x2];
	[bflag:$0x3] =	sbarrier.arrive $0xFFFF;
	s2 =	simm.s32 @!p0 $0x1C01  }
0xaa: {  	[timem:s3], [sflag:s2] =	dma.local @!p0 [hbm:s0], s1  }
0xab: {  	s0 =	simm.s32 @!p0 $0x1  }
0xac: {  	_ =	swait.ge @!p0 [sflag:s0], s1  }
0xad: {  	s1 =	ssub.s32 @!p0 $0x0, s1;
	[sflag:s0] =	ssyncset.done @!p0 $0x0  }
0xae: {  	[sflag:s0] =	ssyncadd.s32 @!p0 s1  }
0xaf: {  	[bflag:$0x3] =	sbarrier.arrive $0xFFFF  }
0xb0: {  	_ =	shalt  }

// kernel: kernel.8.cloned.1.call-start
scs
__scs_entry_jumppad:
0x0: {  	(pc) =	sbr.rel $0x88, $3  }
0x1: {  	(tag) =	ssettag $0x0;
	lr =	simm.s32 $0x1  }
0x2: {  	[smem:$0x3F98] =	sst lr;
	_ =	strace $0xD0000000  }
0x3: {  	_ = 	snop  }
0x4: {  	_ = 	snop  }
0x5: {  	_ = 	snop  }
0x6: {  	_ = 	snop  }
0x7: {  	_ = 	snop  }
__scs_overlays_trampoline_lowered:
0x8: {  	[smem:$0x3FA7] =	sst s0  }
0x9: {  	[smem:$0x3FA8] =	sst s1  }
0xa: {  	[smem:$0x3FA9] =	sst s2  }
0xb: {  	[smem:$0x3FAA] =	sst s3  }
0xc: {  	[smem:$0x3FAB] =	sst s4  }
0xd: {  	[smem:$0x3FAC] =	sst s5  }
0xe: {  	[smem:$0x3FAD] =	sst s6  }
0xf: {  	[smem:$0x3FAE] =	sst s7  }
0x10: {  	[smem:$0x3FAF] =	sst s8  }
0x11: {  	[smem:$0x3FB0] =	sst s9;
	s0 =	simm.s32 @!p0 $0x0  }
0x12: {  	s1 =	sld [smem:$0x3F96];
	s0 =	simm.s32 @p0 $0x1  }
0x13: {  	[smem:$0x3FB1] =	sst s0;
	s0 =	simm.s32 @!p1 $0x0  }
0x14: {  	s2 =	sld [smem:$0x3F95];
	s0 =	simm.s32 @p1 $0x1  }
0x15: {  	[smem:$0x3FB2] =	sst s0;
	s0 =	simm.s32 @!p2 $0x0  }
0x16: {  	s3 =	sld [smem:$0x3FDB];
	s0 =	simm.s32 @p2 $0x1  }
0x17: {  	s4 =	simm.s32 $0x1BF5;
	[smem:$0x3FB4] =	sst s0  }
0x18: {  	s0 =	sld [smem:$0x3F97];
	_ =	swait.ge [sflag:s4], $0x0  }
0x19: {  	s7 =	sld [smem:$0x3F98]  }
0x1a: {  	s8 =	sadd.s32 $0xFFFFE003, lr  }
0x1b: {  	s9 =	sadd.s32 $0xFFFFFEF7, lr;
	s5 =	simm.s32 $0xFFFFFFFF;
	p2 =	slt.u32 s8, $0xFFFFF086  }
0x1c: {  	p1 =	slt.u32 s9, $0xF7A;
	s5 =	simm.s32 @!p2 $0x0  }
0x1d: {  	s5 =	simm.s32 @p1 $0x1;
	p0 =	seq.s32 s7, s2  }
0x1e: {  	s7 =	smul.u32 @!p0 $0xF7A, s2;
	p2 =	seq.s32 @!p0 s5, $0x0  }
0x1f: {  	s9 =	smul.u32 $0xF7A, s1;
	s8 =	simm.s32 @!p0 $0x1BF5;
	p2 =	por !p2, p0  }
0x20: {  	[sflag:s8] =	ssyncset.s32 @!p0 $0xFFFFF086;
	s6 =	sadd.s32 @!p0 s3, s7;
	s7 =	simm.s32 @!p0 $0x108  }
0x21: {  	s3 =	sadd.s32 s3, s9;
	s6 =	sadd.s32 @!p0 $0x88, s6;
	s7 =	simm.s32 @p2 $0x1082  }
0x22: {  	[simem:s7], [sflag:s8] =	dma.local @!p0 [hbm:s6], $0xF7A  }
0x23: {  	s9 =	sor.u32 $0xD0000000, s2;
	s6 =	simm.s32 $0x108;
	_ =	swait.ge @!p0 [sflag:s8], $0x0  }
0x24: {  	s3 =	sadd.s32 $0x88, s3;
	s6 =	simm.s32 @!p1 $0x1082;
	[sflag:s4] =	ssyncset.s32 $0xFFFFF086  }
0x25: {  	[simem:s6], [sflag:s4] =	dma.local [hbm:s3], $0xF7A  }
0x26: {  	[smem:$0x3F98] =	sst s1;
	(tag) =	ssettag s2;
	_ =	strace s9  }
0x27: {  	s1 =	sld [smem:$0x3FA8]  }
0x28: {  	s2 =	sld [smem:$0x3FA9]  }
0x29: {  	s4 =	sld [smem:$0x3FAB]  }
0x2a: {  	p0 =	seq.s32 s5, $0x0;
	s5 =	sld [smem:$0x3FAC]  }
0x2b: {  	s6 =	sld [smem:$0x3FAD]  }
0x2c: {  	s7 =	sld [smem:$0x3FAE]  }
0x2d: {  	s3 =	simm.s32 $0x108;
	s8 =	sld [smem:$0x3FAF]  }
0x2e: {  	s3 =	simm.s32 @!p0 $0x1082;
	s9 =	sld [smem:$0x3FB0]  }
0x2f: {  	lr =	sadd.s32 s0, s3;
	s0 =	sld [smem:$0x3FA7]  }
0x30: {  	s3 =	sld [smem:$0x3FAA]  }
0x31: {  	[smem:$0x3FB3] =	sst s10  }
0x32: {  	s10 =	sld [smem:$0x3FB1];
	_ =	sdelay $0x3  }
0x33: {  	p0 =	seq.s32 s10, $0x1;
	s10 =	sld [smem:$0x3FB3];
	_ =	sdelay $0x3  }
0x34: {  	[smem:$0x3FB3] =	sst s10  }
0x35: {  	s10 =	sld [smem:$0x3FB2];
	_ =	sdelay $0x3  }
0x36: {  	p1 =	seq.s32 s10, $0x1;
	s10 =	sld [smem:$0x3FB3];
	_ =	sdelay $0x3  }
0x37: {  	[smem:$0x3FB3] =	sst s10  }
0x38: {  	s10 =	sld [smem:$0x3FB4]  }
0x39: {  	_ = 	snop;
	(pc) =	sbr.ind lr, $3  }
0x3a: {  	_ = 	snop  }
0x3b: {  	_ = 	snop  }
0x3c: {  	p2 =	seq.s32 s10, $0x1;
	s10 =	sld [smem:$0x3FB3]  }
0x3d: {  	_ =	shalt  }
0x3e: {  	_ =	shalt  }
0x3f: {  	_ =	shalt  }
0x40: {  	_ =	shalt  }
0x41: {  	_ =	shalt  }
0x42: {  	_ =	shalt  }
0x43: {  	_ =	shalt  }
0x44: {  	_ =	shalt  }
0x45: {  	_ =	shalt  }
0x46: {  	_ =	shalt  }
0x47: {  	_ =	shalt  }
0x48: {  	_ =	shalt  }
0x49: {  	_ =	shalt  }
0x4a: {  	_ =	shalt  }
0x4b: {  	_ =	shalt  }
0x4c: {  	_ =	shalt  }
0x4d: {  	_ =	shalt  }
0x4e: {  	_ =	shalt  }
0x4f: {  	_ =	shalt  }
0x50: {  	_ =	shalt  }
0x51: {  	_ =	shalt  }
0x52: {  	_ =	shalt  }
0x53: {  	_ =	shalt  }
0x54: {  	_ =	shalt  }
0x55: {  	_ =	shalt  }
0x56: {  	_ =	shalt  }
0x57: {  	_ =	shalt  }
0x58: {  	_ =	shalt  }
0x59: {  	_ =	shalt  }
0x5a: {  	_ =	shalt  }
0x5b: {  	_ =	shalt  }
0x5c: {  	_ =	shalt  }
0x5d: {  	_ =	shalt  }
0x5e: {  	_ =	shalt  }
0x5f: {  	_ =	shalt  }
0x60: {  	_ =	shalt  }
0x61: {  	_ =	shalt  }
0x62: {  	_ =	shalt  }
0x63: {  	_ =	shalt  }
0x64: {  	_ =	shalt  }
0x65: {  	_ =	shalt  }
0x66: {  	_ =	shalt  }
0x67: {  	_ =	shalt  }
0x68: {  	_ =	shalt  }
0x69: {  	_ =	shalt  }
0x6a: {  	_ =	shalt  }
0x6b: {  	_ =	shalt  }
0x6c: {  	_ =	shalt  }
0x6d: {  	_ =	shalt  }
0x6e: {  	_ =	shalt  }
0x6f: {  	_ =	shalt  }
0x70: {  	_ =	shalt  }
0x71: {  	_ =	shalt  }
0x72: {  	_ =	shalt  }
0x73: {  	_ =	shalt  }
0x74: {  	_ =	shalt  }
0x75: {  	_ =	shalt  }
0x76: {  	_ =	shalt  }
0x77: {  	_ =	shalt  }
0x78: {  	_ =	shalt  }
0x79: {  	_ =	shalt  }
0x7a: {  	_ =	shalt  }
0x7b: {  	_ =	shalt  }
0x7c: {  	_ =	shalt  }
0x7d: {  	_ =	shalt  }
0x7e: {  	_ =	shalt  }
0x7f: {  	_ =	shalt  }
0x80: {  	_ =	shalt  }
0x81: {  	_ =	shalt  }
0x82: {  	_ =	shalt  }
0x83: {  	_ =	shalt  }
0x84: {  	_ =	shalt  }
0x85: {  	_ =	shalt  }
0x86: {  	_ =	shalt  }
0x87: {  	_ =	shalt  }
.Lfunc_end0:
.L_simem_size_0:
called_computation_lowered:
.L_overlay_start_0:
0x88: {  	s2 =	sld [smem:$0x3FD9]  }
0x89: {  	s3 =	sld [smem:$0x3FFE];
	_ =	sdelay $0x1  }
0x8a: {  	s1 =	srdreg.scid  }
0x8b: {  	s0 =	sand.u32 $0x1, s1  }
0x8c: {  	s17 =	sshll.u32 s0, $0xA;
	s2 =	sadd.s32 s3, s2  }
0x8d: {  	s2 =	sadd.s32 s2, s17  }
0x8e: {  	[smem:$0x3FBF] =	sst s2  }
0x8f: {  	_ = 	snop  }
0x90: {  	s2 =	sld [smem:$0x3FD0];
	(tm) =	ssettm $0x1  }
0x91: {  	s18 =	sld [smem:$0x3FFB];
	_ =	sdelay $0x3  }
0x92: {  	_ =	strace s18  }
0x93: {  	s3 =	sld [smem:$0x3FFC];
	_ =	sdelay $0x3  }
0x94: {  	_ =	strace s3  }
0x95: {  	s3 =	sld [smem:$0x3FFD];
	_ =	sdelay $0x3  }
0x96: {  	_ =	strace s3  }
0x97: {  	_ =	strace $0x8FFFFFFF  }
0x98: {  	s19 =	sld [smem:$0x3FDB];
	_ =	sdelay $0x1  }
0x99: {  	s4 =	simm.s32 $_scs_section_size  }
0x9a: {  	s5 =	simm.s32 $_size__tile_overlayer_lowered;
	s6 =	simm.s32 $_tile_overlayer_lowered  }
0x9b: {  	s22 =	simm.s32 $0x1BFF;
	s21 =	sshll.u32 s6, $0x1;
	s3 =	sadd.s32 s4, s19  }
0x9c: {  	s7 =	simm.s32 $0x0;
	s20 =	sshll.u32 s5, $0x1;
	s5 =	sadd.s32 s21, s3  }
0x9d: {  	[timem:s7], [sflag:s22] =	dma.local [hbm:s5], s20  }
0x9e: {  	_ =	swait.ge [sflag:s22], s20  }
0x9f: {  	s4 =	ssub.s32 $0x0, s20;
	[sflag:s22] =	ssyncset.done $0x0  }
0xa0: {  	[sflag:s22] =	ssyncadd.s32 s4;
	_ =	sdelay $0x1  }
0xa1: {  	s23 =	simm.s32 $0x1B8B  }
0xa2: {  	_ =	swait.ge [sflag:s23], $0x1  }
0xa3: {  	[sflag:s23] =	ssyncset.done $0x0  }
0xa4: {  	s25 =	simm.s32 $0x1B8E;
	s24 =	sld [smem:$0x3FFE];
	[sflag:s23] =	ssyncadd.s32 $0xFFFFFFFF  }
0xa5: {  	s26 =	simm.s32 $execute0_lowered;
	[smem:$0x3FD2] =	sst s25  }
0xa6: {  	s5 =	sshll.u32 s26, $0x1;
	_ =	strace $0x80000046;
	[dreg:$0x1] =	wrdreg $0xFFFFFFFF  }
0xa7: {  	s28 =	simm.s32 $_size_execute0_lowered;
	s3 =	sadd.s32 s3, s5;
	[dreg:$0x0] =	wrdreg $0x0  }
0xa8: {  	s5 =	sshll.u32 s28, $0x1;
	[dreg:$0x2] =	wrdreg s3  }
0xa9: {  	[dreg:$0x3] =	wrdreg s5  }
0xaa: {  	[dreg:$0x4] =	wrdreg $0xC0  }
0xab: {  	_ =	task [dreg:s7], $0x5FFFF  }
0xac: {  	[dreg:$0x1] =	wrdreg $0xFFFFFFFF  }
0xad: {  	[dreg:$0x0] =	wrdreg $0x60  }
0xae: {  	[dreg:$0x2] =	wrdreg s24  }
0xaf: {  	[dreg:$0x3] =	wrdreg s2  }
0xb0: {  	[dreg:$0x4] =	wrdreg $0x44000  }
0xb1: {  	[dreg:$0x5] =	wrdreg $0x9  }
0xb2: {  	_ =	task.clear_ibuf [dreg:s7], $0x6FFFF;
	_ =	strace $0x90000046  }
0xb3: {  	s29 =	simm.s32 $0x9;
	_ =	strace $0x80000048  }
0xb4: {  	_ =	swait.ge [sflag:s29], $0x1  }
0xb5: {  	[sflag:s29] =	ssyncadd.s32 $0xFFFFFFFF  }
0xb6: {  	_ =	strace $0x90000048  }
0xb7: {  	_ =	sfence  }
0xb8: {  	s30 =	sld [smem:$0x0];
	_ =	sdelay $0x2  }
0xb9: {  	s31 =	sshll.u32 s1, $0xD;
	s1 =	sshrl.u32 s1, $0x2  }
0xba: {  	s3 =	sand.u32 $0x4000, s31;
	s1 =	sadd.s32 s1, s30  }
0xbb: {  	s0 =	sor.u32 s3, s0;
	s1 =	sshll.u32 s1, $0x11  }
0xbc: {  	s0 =	sor.u32 s1, s0  }
0xbd: {  	s0 =	sadd.s32 $0x8F2B, s0  }
0xbe: {  	[sflag:s0] =	ssyncadd.remote.s32 $0x1  }
0xbf: {  	_ =	sfence.sel $0xFFFF  }
0xc0: {  	[dreg:$0x0] =	wrdreg $0xFFFFFFFF;
	(pc) =	sbr.abs _section_cstart, $3  }
0xc1: {  	[dreg:$0x1] =	wrdreg $0xFFFFFFFF  }
0xc2: {  	_ =	task.clear_ibuf [dreg:s7], $0x2FFFF;
	_ =	strace $0x9FFFFFFF  }
0xc3: {  	(tm) =	ssettm $0x7FFFFFFF  }
tec
execute0_lowered:
.L_overlay_start_1:
0x0: {  	(tag) =	ssettag $0x1  }
0x1: {  	s4 =	rddreg [dreg:$0x0]  }
0x2: {  	s6 =	rddreg [dreg:$0x1]  }
0x3: {  	s2 =	rddreg [dreg:$0x2]  }
0x4: {  	s0 =	rddreg [dreg:$0x3]  }
0x5: {  	s3 =	simm.s32 $0x0;
	s1 =	stileid.u32;
	s7 =	srdreg.scid  }
0x6: {  	[smem:$0x7FF] =	sst s3;
	s5 =	sshll.u32 s1, $0x8;
	s24 =	smul.u32 $0x30E0, s1  }
0x7: {  	s22 =	sshll.u32 s1, $0xC;
	s8 =	sadd.s32 $0x48CC00, s4;
	s9 =	smul.u32 $0x18700, s1  }
0x8: {  	s10 =	sand.u32 $0x1, s7;
	s29 =	smul.u32 $0x61C00, s1;
	s16 =	sadd.s32 $0x16E900, s2  }
0x9: {  	p0 =	seq.s32 s1, $0xF;
	_ =	strace $0x80000047;
	s11 =	sadd.s32 s5, s4  }
0xa: {  	s12 =	sadd.s32 s22, s4;
	s23 =	ssub.s32 $0x2, s10;
	s14 =	smul.u32 $0x30D40, s10  }
0xb: {  	s4 =	sshll.u32 s1, $0x1;
	s28 =	smul.u32 $0x186A00, s10;
	s30 =	sshll.u32 s10, $0xB  }
0xc: {  	s31 =	sshll.u32 s10, $0x7;
	s25 =	sshrl.u32 s23, $0x1;
	s15 =	sadd.s32 s9, s2  }
0xd: {  	s26 =	sshrl.u32 s9, $0x3;
	s12 =	sadd.s32 s30, s12;
	s11 =	sadd.s32 s31, s11  }
0xe: {  	s13 =	ssub.s32 s23, s25;
	s5 =	sadd.s32 s6, s26;
	s7 =	sadd.s32 s24, s14  }
0xf: {  	s6 =	sadd.s32 $0x2DD20, s6;
	s9 =	sshrl.u32 s28, $0x3;
	s14 =	sshrl.u32 s29, $0x2  }
0x10: {  	s10 =	sadd.s32 $0x1400, s12;
	s11 =	sadd.s32 $0x448400, s11;
	s12 =	sshrl.u32 @p0 s16, $0x3  }
0x11: {  	s7 =	sadd.s32 s8, s7;
	s8 =	sadd.s32 s8, s9;
	s17 =	sadd.s32 s14, s2  }
0x12: {  	s9 =	smax.u32 s13, $0x1;
	s13 =	sshll.u32 @!p0 s1, $0x6;
	s14 =	sshrl.u32 @!p0 s15, $0x3  }
0x13: {  	s8 =	sadd.s32 $0x2DD20, s8;
	s13 =	sor.u32 @!p0 $0x1C01, s13;
	s15 =	sshrl.u32 @!p0 s17, $0x3  }
.LBB2_1:
0x14: {  	s16 =	simm.s32 @p0 $0x1FC1  }
0x15: {  	[spmem:s12], [sflag:s16] =	dma.local @p0 [hbm:s6], $0x3020  }
0x16: {  	s16 =	simm.s32 @p0 $0x1  }
0x17: {  	_ =	swait.ge @p0 [sflag:s16], $0x3020  }
0x18: {  	[sflag:s16] =	ssyncset.done @p0 $0x0  }
0x19: {  	[sflag:s16] =	ssyncadd.s32 @p0 $0xFFFFCFE0;
	s16 =	simm.s32 @!p0 $0x1  }
0x1a: {  	[spmem:s14], [sflag:s13] =	dma.local @!p0 [hbm:s5], $0x30E0  }
0x1b: {  	_ =	swait.ge @!p0 [sflag:s16], $0x30E0  }
0x1c: {  	s17 =	sadd.s32 $0x0, s4;
	[sflag:s16] =	ssyncset.done @!p0 $0x0  }
0x1d: {  	p1 =	sgt.u32 s17, $0x88D;
	[sflag:s16] =	ssyncadd.s32 @!p0 $0xFFFFCF20  }
0x1e: {  	s17 =	simm.s32 @!p1 $0x2;
	s16 =	simm.s32 @!p1 $0x0;
	[bflag:$0x0] =	sbarrier.arrive $0xFFFF  }
0x1f: {  	[tilespmem:s16], [sflag:$0x2] =	stream.linear.gather @!p1 [hbm4b:s11+s16], $0x400, $0x38;
	[tilespmem:$0x1CAA0] =	vst v63  }
0x20: {  	_ =	swait.ge @!p1 [sflag:s17], $0x400  }
0x21: {  	[sflag:s17] =	ssyncset.done @!p1 $0x0;
	p1 =	por p1, p1  }
0x22: {  	[sflag:s17] =	ssyncadd.s32 @!p1 $0xFFFFFC00;
	s18 =	simm.s32 @!p1 $0x400  }
0x23: {  	[tilespmem:s18], [sflag:$0x2] =	stream.linear.gather @!p1 [hbm4b:s10+s16], $0x4000, $0x38;
	[tilespmem:$0x1CAA0] =	vst v63  }
0x24: {  	_ =	swait.ge @!p1 [sflag:s17], $0x4000  }
0x25: {  	[sflag:s17] =	ssyncset.done @!p1 $0x0  }
0x26: {  	s19 =	simm.s32 @!p1 $0x80;
	[sflag:s17] =	ssyncadd.s32 @!p1 $0xFFFFC000  }
0x27: {  	[spmem:s2] =	stream.indirect.scatter.add.f32 @!p1 [tilespmem:s18], [sflag:$0x2], $0x10, s16, s19, $0xb8;
	[tilespmem:$0x1CAA0] =	vst v63  }
0x28: {  	_ =	swait.ge @!p1 [sflag:s17], $0x800  }
0x29: {  	[sflag:s17] =	ssyncset.done @!p1 $0x0  }
0x2a: {  	s16 =	simm.s32 @!p1 $0xC00;
	[sflag:s17] =	ssyncadd.s32 @!p1 $0xFFFFF800  }
0x2b: {  	[spmem:s2] =	stream.indirect.scatter.add.f32 @!p1 [tilespmem:s16], [sflag:$0x2], $0x10, s19, s19, $0xb8;
	[tilespmem:$0x1CAA0] =	vst v63  }
0x2c: {  	_ =	swait.ge @!p1 [sflag:s17], $0x800  }
0x2d: {  	[sflag:s17] =	ssyncset.done @!p1 $0x0  }
0x2e: {  	s18 =	simm.s32 @!p1 $0x1400;
	s16 =	simm.s32 @!p1 $0x100;
	[sflag:s17] =	ssyncadd.s32 @!p1 $0xFFFFF800  }
0x2f: {  	[spmem:s2] =	stream.indirect.scatter.add.f32 @!p1 [tilespmem:s18], [sflag:$0x2], $0x10, s16, s19, $0xb8;
	[tilespmem:$0x1CAA0] =	vst v63  }
0x30: {  	_ =	swait.ge @!p1 [sflag:s17], $0x800  }
0x31: {  	[sflag:s17] =	ssyncset.done @!p1 $0x0  }
0x32: {  	s16 =	simm.s32 @!p1 $0x180;
	s18 =	simm.s32 @!p1 $0x1C00;
	[sflag:s17] =	ssyncadd.s32 @!p1 $0xFFFFF800  }
0x33: {  	[spmem:s2] =	stream.indirect.scatter.add.f32 @!p1 [tilespmem:s18], [sflag:$0x2], $0x10, s16, s19, $0xb8;
	[tilespmem:$0x1CAA0] =	vst v63  }
0x34: {  	_ =	swait.ge @!p1 [sflag:s17], $0x800  }
0x35: {  	[sflag:s17] =	ssyncset.done @!p1 $0x0  }
0x36: {  	s16 =	simm.s32 @!p1 $0x200;
	s18 =	simm.s32 @!p1 $0x2400;
	[sflag:s17] =	ssyncadd.s32 @!p1 $0xFFFFF800  }
0x37: {  	[spmem:s2] =	stream.indirect.scatter.add.f32 @!p1 [tilespmem:s18], [sflag:$0x2], $0x10, s16, s19, $0xb8;
	[tilespmem:$0x1CAA0] =	vst v63  }
0x38: {  	_ =	swait.ge @!p1 [sflag:s17], $0x800  }
0x39: {  	[sflag:s17] =	ssyncset.done @!p1 $0x0  }
0x3a: {  	s16 =	simm.s32 @!p1 $0x280;
	s18 =	simm.s32 @!p1 $0x2C00;
	[sflag:s17] =	ssyncadd.s32 @!p1 $0xFFFFF800  }
0x3b: {  	[spmem:s2] =	stream.indirect.scatter.add.f32 @!p1 [tilespmem:s18], [sflag:$0x2], $0x10, s16, s19, $0xb8;
	[tilespmem:$0x1CAA0] =	vst v63  }
0x3c: {  	_ =	swait.ge @!p1 [sflag:s17], $0x800  }
0x3d: {  	[sflag:s17] =	ssyncset.done @!p1 $0x0  }
0x3e: {  	s16 =	simm.s32 @!p1 $0x300;
	s18 =	simm.s32 @!p1 $0x3400;
	[sflag:s17] =	ssyncadd.s32 @!p1 $0xFFFFF800  }
0x3f: {  	[spmem:s2] =	stream.indirect.scatter.add.f32 @!p1 [tilespmem:s18], [sflag:$0x2], $0x10, s16, s19, $0xb8;
	[tilespmem:$0x1CAA0] =	vst v63  }
0x40: {  	_ =	swait.ge @!p1 [sflag:s17], $0x800  }
0x41: {  	s31 =	sadd.s32 $0x20, s4;
	s22 =	simm.s32 @!p1 $0x1;
	[sflag:s17] =	ssyncset.done @!p1 $0x0  }
0x42: {  	s18 =	simm.s32 @!p1 $0x3C00;
	[sflag:s17] =	ssyncadd.s32 @!p1 $0xFFFFF800;
	s17 =	simm.s32 @!p1 $0x380  }
0x43: {  	[spmem:s2] =	stream.indirect.scatter.add.f32 @!p1 [tilespmem:s18], [sflag:$0x1], $0x10, s17, s19, $0xb8;
	[tilespmem:$0x1CAA0] =	vst v63  }
0x44: {  	p3 =	sgt.u32 s31, $0x88D;
	s16 =	simm.s32 $0x40;
	_ =	swait.ge @!p1 [sflag:s22], $0x800  }
0x45: {  	s18 =	sadd.s32 $0x1000, s11;
	s17 =	sadd.s32 $0x10000, s10;
	[sflag:s22] =	ssyncset.done @!p1 $0x0  }
.LBB2_2:
0x46: {  	s23 =	simm.s32 @!p3 $0x0;
	s20 =	simm.s32 @!p3 $0x2;
	[sflag:s22] =	ssyncadd.s32 @!p1 $0xFFFFF800  }
0x47: {  	[tilespmem:s23], [sflag:$0x2] =	stream.linear.gather @!p3 [hbm4b:s18+s23], $0x400, $0x38;
	[tilespmem:$0x1CAA0] =	vst v63  }
0x48: {  	s19 =	smov.u32 s16;
	s16 =	sadd.s32 $0x20, s16;
	_ =	swait.ge @!p3 [sflag:s20], $0x400  }
0x49: {  	p1 =	por p3, p3;
	p2 =	sne.s32 s16, $0x8A0;
	[sflag:s20] =	ssyncset.done @!p3 $0x0  }
0x4a: {  	s22 =	simm.s32 @!p1 $0x400;
	[sflag:s20] =	ssyncadd.s32 @!p1 $0xFFFFFC00  }
0x4b: {  	[tilespmem:s22], [sflag:$0x2] =	stream.linear.gather @!p1 [hbm4b:s17+s23], $0x4000, $0x38;
	[tilespmem:$0x1CAA0] =	vst v63  }
0x4c: {  	_ =	swait.ge @!p1 [sflag:s20], $0x4000  }
0x4d: {  	[sflag:s20] =	ssyncset.done @!p1 $0x0  }
0x4e: {  	s21 =	simm.s32 @!p1 $0x80;
	[sflag:s20] =	ssyncadd.s32 @!p1 $0xFFFFC000  }
0x4f: {  	[spmem:s2] =	stream.indirect.scatter.add.f32 @!p1 [tilespmem:s22], [sflag:$0x2], $0x10, s23, s21, $0xb8;
	[tilespmem:$0x1CAA0] =	vst v63  }
0x50: {  	_ =	swait.ge @!p1 [sflag:s20], $0x800  }
0x51: {  	[sflag:s20] =	ssyncset.done @!p1 $0x0  }
0x52: {  	s22 =	simm.s32 @!p1 $0xC00;
	[sflag:s20] =	ssyncadd.s32 @!p1 $0xFFFFF800  }
0x53: {  	[spmem:s2] =	stream.indirect.scatter.add.f32 @!p1 [tilespmem:s22], [sflag:$0x2], $0x10, s21, s21, $0xb8;
	[tilespmem:$0x1CAA0] =	vst v63  }
0x54: {  	_ =	swait.ge @!p1 [sflag:s20], $0x800  }
0x55: {  	[sflag:s20] =	ssyncset.done @!p1 $0x0  }
0x56: {  	s23 =	simm.s32 @!p1 $0x1400;
	s22 =	simm.s32 @!p1 $0x100;
	[sflag:s20] =	ssyncadd.s32 @!p1 $0xFFFFF800  }
0x57: {  	[spmem:s2] =	stream.indirect.scatter.add.f32 @!p1 [tilespmem:s23], [sflag:$0x2], $0x10, s22, s21, $0xb8;
	[tilespmem:$0x1CAA0] =	vst v63  }
0x58: {  	_ =	swait.ge @!p1 [sflag:s20], $0x800  }
0x59: {  	[sflag:s20] =	ssyncset.done @!p1 $0x0  }
0x5a: {  	s22 =	simm.s32 @!p1 $0x180;
	s23 =	simm.s32 @!p1 $0x1C00;
	[sflag:s20] =	ssyncadd.s32 @!p1 $0xFFFFF800  }
0x5b: {  	[spmem:s2] =	stream.indirect.scatter.add.f32 @!p1 [tilespmem:s23], [sflag:$0x2], $0x10, s22, s21, $0xb8;
	[tilespmem:$0x1CAA0] =	vst v63  }
0x5c: {  	_ =	swait.ge @!p1 [sflag:s20], $0x800  }
0x5d: {  	[sflag:s20] =	ssyncset.done @!p1 $0x0  }
0x5e: {  	s22 =	simm.s32 @!p1 $0x200;
	s23 =	simm.s32 @!p1 $0x2400;
	[sflag:s20] =	ssyncadd.s32 @!p1 $0xFFFFF800  }
0x5f: {  	[spmem:s2] =	stream.indirect.scatter.add.f32 @!p1 [tilespmem:s23], [sflag:$0x2], $0x10, s22, s21, $0xb8;
	[tilespmem:$0x1CAA0] =	vst v63  }
0x60: {  	_ =	swait.ge @!p1 [sflag:s20], $0x800  }
0x61: {  	[sflag:s20] =	ssyncset.done @!p1 $0x0  }
0x62: {  	s22 =	simm.s32 @!p1 $0x280;
	s23 =	simm.s32 @!p1 $0x2C00;
	[sflag:s20] =	ssyncadd.s32 @!p1 $0xFFFFF800  }
0x63: {  	[spmem:s2] =	stream.indirect.scatter.add.f32 @!p1 [tilespmem:s23], [sflag:$0x2], $0x10, s22, s21, $0xb8;
	[tilespmem:$0x1CAA0] =	vst v63  }
0x64: {  	_ =	swait.ge @!p1 [sflag:s20], $0x800  }
0x65: {  	[sflag:s20] =	ssyncset.done @!p1 $0x0  }
0x66: {  	s22 =	simm.s32 @!p1 $0x300;
	s23 =	simm.s32 @!p1 $0x3400;
	[sflag:s20] =	ssyncadd.s32 @!p1 $0xFFFFF800  }
0x67: {  	[spmem:s2] =	stream.indirect.scatter.add.f32 @!p1 [tilespmem:s23], [sflag:$0x2], $0x10, s22, s21, $0xb8;
	[tilespmem:$0x1CAA0] =	vst v63  }
0x68: {  	_ =	swait.ge @!p1 [sflag:s20], $0x800  }
.Ltmp0:
0x69: {  	s22 =	simm.s32 @!p1 $0x1;
	[sflag:s20] =	ssyncset.done @!p1 $0x0;
	(pc) =	sbr.rel @p2 .LBB2_2-.Ltmp0, $4  }
0x6a: {  	s23 =	simm.s32 @!p1 $0x3C00;
	[sflag:s20] =	ssyncadd.s32 @!p1 $0xFFFFF800;
	s20 =	simm.s32 @!p1 $0x380  }
0x6b: {  	[spmem:s2] =	stream.indirect.scatter.add.f32 @!p1 [tilespmem:s23], [sflag:$0x1], $0x10, s20, s21, $0xb8;
	[tilespmem:$0x1CAA0] =	vst v63  }
0x6c: {  	s19 =	sadd.s32 s19, s4;
	s18 =	sadd.s32 $0x1000, s18;
	_ =	swait.ge @!p1 [sflag:s22], $0x800  }
0x6d: {  	p3 =	sgt.u32 s19, $0x88D;
	s17 =	sadd.s32 $0x10000, s17;
	[sflag:s22] =	ssyncset.done @!p1 $0x0  }
0x6e: {  	s16 =	simm.s32 @!p3 $0x0;
	s19 =	simm.s32 @!p3 $0x2;
	[sflag:s22] =	ssyncadd.s32 @!p1 $0xFFFFF800  }
0x6f: {  	[tilespmem:s16], [sflag:$0x2] =	stream.linear.gather @!p3 [hbm4b:s18+s16], $0x400, $0x38;
	[tilespmem:$0x1CAA0] =	vst v63  }
0x70: {  	_ =	swait.ge @!p3 [sflag:s19], $0x400  }
0x71: {  	p1 =	por p3, p3;
	[sflag:s19] =	ssyncset.done @!p3 $0x0  }
0x72: {  	s18 =	simm.s32 @!p1 $0x400;
	[sflag:s19] =	ssyncadd.s32 @!p1 $0xFFFFFC00  }
0x73: {  	[tilespmem:s18], [sflag:$0x2] =	stream.linear.gather @!p1 [hbm4b:s17+s16], $0x4000, $0x38;
	[tilespmem:$0x1CAA0] =	vst v63  }
0x74: {  	_ =	swait.ge @!p1 [sflag:s19], $0x4000  }
0x75: {  	[sflag:s19] =	ssyncset.done @!p1 $0x0  }
0x76: {  	s17 =	simm.s32 @!p1 $0x80;
	[sflag:s19] =	ssyncadd.s32 @!p1 $0xFFFFC000  }
0x77: {  	[spmem:s2] =	stream.indirect.scatter.add.f32 @!p1 [tilespmem:s18], [sflag:$0x2], $0x10, s16, s17, $0xb8;
	[tilespmem:$0x1CAA0] =	vst v63  }
0x78: {  	_ =	swait.ge @!p1 [sflag:s19], $0x800  }
0x79: {  	[sflag:s19] =	ssyncset.done @!p1 $0x0  }
0x7a: {  	s16 =	simm.s32 @!p1 $0xC00;
	[sflag:s19] =	ssyncadd.s32 @!p1 $0xFFFFF800  }
0x7b: {  	[spmem:s2] =	stream.indirect.scatter.add.f32 @!p1 [tilespmem:s16], [sflag:$0x2], $0x10, s17, s17, $0xb8;
	[tilespmem:$0x1CAA0] =	vst v63  }
0x7c: {  	_ =	swait.ge @!p1 [sflag:s19], $0x800  }
0x7d: {  	[sflag:s19] =	ssyncset.done @!p1 $0x0  }
0x7e: {  	s18 =	simm.s32 @!p1 $0x1400;
	s16 =	simm.s32 @!p1 $0x100;
	[sflag:s19] =	ssyncadd.s32 @!p1 $0xFFFFF800  }
0x7f: {  	[spmem:s2] =	stream.indirect.scatter.add.f32 @!p1 [tilespmem:s18], [sflag:$0x2], $0x10, s16, s17, $0xb8;
	[tilespmem:$0x1CAA0] =	vst v63  }
0x80: {  	_ =	swait.ge @!p1 [sflag:s19], $0x800  }
0x81: {  	[sflag:s19] =	ssyncset.done @!p1 $0x0  }
0x82: {  	s16 =	simm.s32 @!p1 $0x180;
	s18 =	simm.s32 @!p1 $0x1C00;
	[sflag:s19] =	ssyncadd.s32 @!p1 $0xFFFFF800  }
0x83: {  	[spmem:s2] =	stream.indirect.scatter.add.f32 @!p1 [tilespmem:s18], [sflag:$0x2], $0x10, s16, s17, $0xb8;
	[tilespmem:$0x1CAA0] =	vst v63  }
0x84: {  	_ =	swait.ge @!p1 [sflag:s19], $0x800  }
0x85: {  	[sflag:s19] =	ssyncset.done @!p1 $0x0  }
0x86: {  	s16 =	simm.s32 @!p1 $0x200;
	s18 =	simm.s32 @!p1 $0x2400;
	[sflag:s19] =	ssyncadd.s32 @!p1 $0xFFFFF800  }
0x87: {  	[spmem:s2] =	stream.indirect.scatter.add.f32 @!p1 [tilespmem:s18], [sflag:$0x2], $0x10, s16, s17, $0xb8;
	[tilespmem:$0x1CAA0] =	vst v63  }
0x88: {  	_ =	swait.ge @!p1 [sflag:s19], $0x800  }
0x89: {  	[sflag:s19] =	ssyncset.done @!p1 $0x0  }
0x8a: {  	s16 =	simm.s32 @!p1 $0x280;
	s18 =	simm.s32 @!p1 $0x2C00;
	[sflag:s19] =	ssyncadd.s32 @!p1 $0xFFFFF800  }
0x8b: {  	[spmem:s2] =	stream.indirect.scatter.add.f32 @!p1 [tilespmem:s18], [sflag:$0x2], $0x10, s16, s17, $0xb8;
	[tilespmem:$0x1CAA0] =	vst v63  }
0x8c: {  	_ =	swait.ge @!p1 [sflag:s19], $0x800  }
0x8d: {  	[sflag:s19] =	ssyncset.done @!p1 $0x0  }
0x8e: {  	s16 =	simm.s32 @!p1 $0x300;
	s18 =	simm.s32 @!p1 $0x3400;
	[sflag:s19] =	ssyncadd.s32 @!p1 $0xFFFFF800  }
0x8f: {  	[spmem:s2] =	stream.indirect.scatter.add.f32 @!p1 [tilespmem:s18], [sflag:$0x2], $0x10, s16, s17, $0xb8;
	[tilespmem:$0x1CAA0] =	vst v63  }
0x90: {  	_ =	swait.ge @!p1 [sflag:s19], $0x800  }
0x91: {  	s16 =	simm.s32 @!p1 $0x1;
	[sflag:s19] =	ssyncset.done @!p1 $0x0  }
0x92: {  	s18 =	simm.s32 @!p1 $0x380;
	[sflag:s19] =	ssyncadd.s32 @!p1 $0xFFFFF800;
	s19 =	simm.s32 @!p1 $0x3C00  }
0x93: {  	[spmem:s2] =	stream.indirect.scatter.add.f32 @!p1 [tilespmem:s19], [sflag:$0x1], $0x10, s18, s17, $0xb8;
	[tilespmem:$0x1CAA0] =	vst v63  }
0x94: {  	_ =	swait.ge @!p1 [sflag:s16], $0x800  }
0x95: {  	[sflag:s16] =	ssyncset.done @!p1 $0x0  }
0x96: {  	[sflag:s16] =	ssyncadd.s32 @!p1 $0xFFFFF800  }
0x97: {  	s16 =	simm.s32 @p0 $0x1FC1;
	[bflag:$0x0] =	sbarrier.arrive $0xFFFF  }
0x98: {  	[hbm:s8], [sflag:s16] =	dma.local @p0 [spmem:s12], $0x3020  }
0x99: {  	s16 =	simm.s32 @p0 $0x1  }
0x9a: {  	s3 =	sadd.s32 $0x1, s3;
	_ =	swait.ge @p0 [sflag:s16], $0x3020  }
0x9b: {  	p1 =	sne.s32 s3, s9;
	[sflag:s16] =	ssyncset.done @p0 $0x0  }
.Ltmp1:
0x9c: {  	[sflag:s16] =	ssyncadd.s32 @p0 $0xFFFFCFE0;
	s16 =	simm.s32 @!p0 $0x1;
	(pc) =	sbr.rel @p1 .LBB2_1-.Ltmp1, $4  }
0x9d: {  	[hbm:s7], [sflag:s13] =	dma.local @!p0 [spmem:s15], $0x30E0  }
0x9e: {  	_ =	swait.ge @!p0 [sflag:s16], $0x30E0  }
0x9f: {  	[sflag:s16] =	ssyncset.done @!p0 $0x0  }
0xa0: {  	[sflag:s16] =	ssyncadd.s32 @!p0 $0xFFFFCF20  }
0xa1: {  	_ =	sfence.sel $0x180000  }
0xa2: {  	[bflag:$0x0] =	sbarrier.arrive $0xFFFF  }
0xa3: {  	p0 =	sne.s32 s1, $0x0;
	_ =	strace $0x90000047  }
0xa4: {  	s0 =	sadd.s32 @!p0 $0x100000, s0;
	[bflag:$0x2] =	sbarrier.arrive $0xFFFF  }
0xa5: {  	[sflag:s0] =	ssyncadd.tile.s32 @!p0 $0x1;
	_ =	shalt  }
.Lfunc_end2:
_tile_overlayer_lowered:
.L_overlay_start_2:
0xa6: {  	(tag) =	ssettag $0x2  }
0xa7: {  	s0 =	rddreg [dreg:$0x0];
	s2 =	stileid.u32  }
0xa8: {  	s1 =	rddreg [dreg:$0x1];
	p0 =	sne.s32 s2, $0x0  }
0xa9: {  	s3 =	rddreg [dreg:$0x2];
	[bflag:$0x3] =	sbarrier.arrive $0xFFFF;
	s2 =	simm.s32 @!p0 $0x1C01  }
0xaa: {  	[timem:s3], [sflag:s2] =	dma.local @!p0 [hbm:s0], s1  }
0xab: {  	s0 =	simm.s32 @!p0 $0x1  }
0xac: {  	_ =	swait.ge @!p0 [sflag:s0], s1  }
0xad: {  	s1 =	ssub.s32 @!p0 $0x0, s1;
	[sflag:s0] =	ssyncset.done @!p0 $0x0  }
0xae: {  	[sflag:s0] =	ssyncadd.s32 @!p0 s1  }
0xaf: {  	[bflag:$0x3] =	sbarrier.arrive $0xFFFF  }
0xb0: {  	_ =	shalt  }

</sc_bundles>
